<compile_context>
chip_gen: v7x
topology: tpu7x:2x2x1
jax: 0.10.2.dev20260603
libtpu: 0.0.44.dev20260713+nightly
codegen_flags: <defaults>
</compile_context>

<pallas_src>
import functools

import jax
import jax.numpy as jnp
import numpy as np
from jax import lax
from jax.experimental import pallas as pl
from jax.experimental.pallas import tpu as pltpu
from jax.experimental.pallas import tpu_sc as plsc

_B = 128
_S = 32768
_K = 64
_L = 16
_NC = 2
_NS = 16
_NW = _NC * _NS
_RPW = _B // _NW
_NVEC = _S // _L
_NGRP = _NVEC // 16
_CAP = 512
_CVEC = _CAP // _L
_NBUF = 3

_MIN32 = np.int32(-2147483648)
_TOPBIT = np.uint32(0x80000000)


def _ukey16(v16):
    i = lax.bitcast_convert_type(v16, jnp.int32)
    mm = (i >> 31) | _MIN32
    return lax.bitcast_convert_type(i ^ mm, jnp.uint32)


def _unkey16(k16):
    si = lax.bitcast_convert_type(k16, jnp.int32)
    mm = (~(si >> 31)) | _MIN32
    return lax.bitcast_convert_type(si ^ mm, jnp.float32)


def _treemax(vals):
    while len(vals) > 1:
        vals = [jnp.maximum(vals[2 * i], vals[2 * i + 1])
                for i in range(len(vals) // 2)] + vals[len(vals) & ~1:]
    return vals[0]


def _bisect_key(count_fn):
    def step(_, carry):
        thr, bit = carry
        cand = thr | bit
        cnt = count_fn(cand)
        return (jnp.where(cnt >= _K, cand, thr), bit >> jnp.uint32(1))

    thr0 = jnp.zeros((_L,), jnp.uint32)
    bit0 = jnp.full((_L,), _TOPBIT, jnp.uint32)
    thr, _ = lax.fori_loop(0, 32, step, (thr0, bit0))
    return thr


def _row_select(xb, cv):
    ninf = jnp.full((_L,), -jnp.inf, jnp.float32)
    seg = _NVEC // 8

    @plsc.parallel_loop(0, seg, unroll=2, carry=(ninf,) * 8)
    def accs(j, acc):
        return tuple(
            jnp.maximum(acc[z], xb[pl.ds((z * seg + j) * _L, _L)])
            for z in range(8))

    m2k = [_ukey16(a) for a in accs]

    def count_m2(cand):
        pc = [plsc.all_reduce_population_count(mk >= cand) for mk in m2k]
        while len(pc) > 1:
            pc = [pc[2 * i] + pc[2 * i + 1] for i in range(len(pc) // 2)]
        return pc[0]

    vf = _unkey16(_bisect_key(count_m2))

    ninf16 = jnp.full((_L,), -jnp.inf, jnp.float32)
    for q in range(_CVEC):
        cv[pl.ds(q * _L, _L)] = ninf16
    lane = lax.iota(jnp.int32, _L)
    half = _CAP // 2

    @plsc.parallel_loop(0, _NVEC // 2, unroll=4,
                        carry=(jnp.zeros((_L,), jnp.int32),
                               jnp.full((_L,), half, jnp.int32)))
    def cnts(j, carry):
        ca, cb = carry
        xa = xb[pl.ds((2 * j) * _L, _L)]
        xc = xb[pl.ds((2 * j + 1) * _L, _L)]
        ma = xa >= vf
        mb = xc >= vf
        oka = jnp.logical_and(ma, ca < half)
        okb = jnp.logical_and(mb, cb < _CAP)
        plsc.store_scatter(cv, [ca + lane], xa, mask=oka)
        plsc.store_scatter(cv, [cb + lane], xc, mask=okb)
        return (ca + jnp.where(ma, _L, 0), cb + jnp.where(mb, _L, 0))

    ca_fin, cb_fin = cnts
    nsa = jnp.max(ca_fin) >> 4
    nsb = (jnp.max(cb_fin) - half) >> 4
    nslot = jnp.maximum(nsa, nsb)
    hvec = _CVEC // 2

    def count_cand(cand):
        acc = jnp.zeros((_L,), jnp.int32)
        for q in range(8):
            cka = _ukey16(cv[pl.ds(q * _L, _L)])
            ckb = _ukey16(cv[pl.ds((hvec + q) * _L, _L)])
            acc = acc + plsc.all_reduce_population_count(cka >= cand)
            acc = acc + plsc.all_reduce_population_count(ckb >= cand)

        def cnt(q, a):
            cka = _ukey16(cv[pl.ds(q * _L, _L)])
            ckb = _ukey16(cv[pl.ds((hvec + q) * _L, _L)])
            a = a + plsc.all_reduce_population_count(cka >= cand)
            return a + plsc.all_reduce_population_count(ckb >= cand)

        return lax.fori_loop(8, jnp.clip(nslot, 8, hvec), cnt, acc)

    tkey_cand = _bisect_key(count_cand)

    def full_bisect(_):
        def count_full(cand):
            def cnt(j, acc):
                ku = _ukey16(xb[pl.ds(j * _L, _L)])
                return acc + plsc.all_reduce_population_count(ku >= cand)

            return lax.fori_loop(0, _NVEC, cnt, jnp.zeros((_L,), jnp.int32))

        return _bisect_key(count_full)

    tkey = lax.cond(nslot > hvec, full_bisect, lambda _: tkey_cand, 0)
    return _unkey16(tkey)


def _sc_body(x_hbm, out_hbm, xball, cv, sin, sout):
    wid = lax.axis_index("s") * _NC + lax.axis_index("c")
    base = wid * _RPW * _S

    def in_copy(r):
        b = r % _NBUF
        return pltpu.async_copy(
            x_hbm.at[pl.ds(base + r * _S, _S)],
            xball.at[pl.ds(b * _S, _S)], sin.at[b])

    def out_copy(r):
        b = r % _NBUF
        return pltpu.async_copy(
            xball.at[pl.ds(b * _S, _S)],
            out_hbm.at[pl.ds(base + r * _S, _S)], sout.at[b])

    in_copy(0)
    in_copy(1)

    def row_body(r, _carry):
        b = r % _NBUF
        pltpu.make_async_copy(
            x_hbm.at[pl.ds(base + r * _S, _S)],
            xball.at[pl.ds(b * _S, _S)], sin.at[b]).wait()
        xb = xball.at[pl.ds(b * _S, _S)]
        tf = _row_select(xb, cv)

        @plsc.parallel_loop(0, _NVEC // 4, unroll=2)
        def _e(j):
            for u in range(4):
                x16 = xb[pl.ds((j * 4 + u) * _L, _L)]
                xb[pl.ds((j * 4 + u) * _L, _L)] = jnp.where(
                    x16 >= tf, jnp.float32(1.0), jnp.float32(0.0))

        out_copy(r)

        @pl.when(jnp.logical_and(r + _NBUF - 1 < _RPW, r >= 1))
        def _wait_prev_out():
            b2 = (r + _NBUF - 1) % _NBUF
            pltpu.make_async_copy(
                xball.at[pl.ds(b2 * _S, _S)],
                out_hbm.at[pl.ds(0, _S)], sout.at[b2]).wait()

        @pl.when(r + _NBUF - 1 < _RPW)
        def _start_next_in():
            in_copy(r + _NBUF - 1)

        return _carry

    lax.fori_loop(0, _RPW, row_body, 0)

    for r in range(_RPW - _NBUF, _RPW):
        b = r % _NBUF
        pltpu.make_async_copy(
            xball.at[pl.ds(b * _S, _S)],
            out_hbm.at[pl.ds(base + r * _S, _S)], sout.at[b]).wait()


_mesh = plsc.VectorSubcoreMesh(core_axis_name="c", subcore_axis_name="s")

_sc_call = functools.partial(
    pl.kernel,
    out_type=jax.ShapeDtypeStruct((_B * _S,), jnp.float32),
    mesh=_mesh,
    scratch_types=[
        pltpu.VMEM((_NBUF * _S,), jnp.float32),
        pltpu.VMEM((_CAP,), jnp.float32),
        pltpu.SemaphoreType.DMA((_NBUF,)),
        pltpu.SemaphoreType.DMA((_NBUF,)),
    ],
    compiler_params=pltpu.CompilerParams(needs_layout_passes=False),
)(_sc_body)


@jax.jit
def kernel(logits):
    x = logits.reshape(_B * _S)
    return _sc_call(x).reshape(_B, _S, 1)

# --- scband reference (transcript-rebuilt; emitter-appended) ---
"""Pipeline reference for scband-sample-concrete-20486994002397 (READ-ONLY COPY).

The authoritative reference and input builder live on the scoring server;
editing this copy changes nothing except your own understanding.
"""

import jax, jax.numpy as jnp
import numpy as np

SLEN = 32768
K_TOP = 64
TAU = 0.5
BATCH = 128


def setup_inputs(seed: int = 0) -> dict:
    key = jax.random.key(seed)
    logits = jax.random.normal(key, (BATCH, SLEN, 1), dtype=jnp.float32)
    return {"logits": logits}


def reference(logits):
    # Inference branch of K.in_train_phase (learning phase = 0):
    # hard top-k mask over the sequence dimension.
    lo = jnp.transpose(logits, (0, 2, 1))            # (B, 1, S)
    flat = lo.reshape(-1, lo.shape[-1])              # (B, S)
    topv, _ = jax.lax.top_k(flat, K_TOP)             # (B, K)
    threshold = topv[:, -1][:, None]                 # (B, 1) = k-th largest
    discrete = (flat >= threshold).astype(jnp.float32)  # (B, S)
    return discrete[:, :, None]                      # (B, S, 1)

if __name__ == "__main__":
    import jax
    _d = setup_inputs()
    print(jax.jit(kernel)(*tuple(_d.values())))

</pallas_src>

<mosaic_0001>
#map = affine_map<(d0, d1) -> (0)>
module attributes {stable_mosaic.version = 14 : i64} {
  func.func @_sc_body(%arg0: i32, %arg1: i32, %arg2: memref<4194304xf32, #tpu.memory_space<hbm>>, %arg3: memref<4194304xf32, #tpu.memory_space<hbm>>, %arg4: memref<98304xf32, #tpu.memory_space<vmem>>, %arg5: memref<512xf32, #tpu.memory_space<vmem>>, %arg6: memref<3x!tpu.dma_semaphore, #tpu.memory_space<semaphore_mem>>, %arg7: memref<3x!tpu.dma_semaphore, #tpu.memory_space<semaphore_mem>>) attributes {dimension_semantics = [#tpu.dimension_semantics<core_parallel>, #tpu.dimension_semantics<subcore_parallel>], iteration_bounds = array<i64: 2, 16>, scalar_prefetch = 0 : i64, scratch_operands = 4 : i64, tpu.core_type = #tpu.core_type<sc_vector_subcore>, window_params = [{transform_indices = #map}, {transform_indices = #map}]} {
    %mul3A = arith.constant 2 : i32
    %mul3A_0 = arith.muli %arg1, %mul3A : i32
    %add3A = arith.addi %mul3A_0, %arg0 : i32
    %mul3A_1 = arith.constant 4 : i32
    %mul3A_2 = arith.muli %add3A, %mul3A_1 : i32
    %mul3A_3 = arith.constant 32768 : i32
    %mul3A_4 = arith.muli %mul3A_2, %mul3A_3 : i32
    %add3A_5 = arith.constant 0 : i32
    %add3A_6 = arith.addi %mul3A_4, %add3A_5 : i32
    %dma_start3A = arith.constant 0 : i32
    %dma_start3A_7 = arith.constant 0 : i32
    %dma_start3A_8 = tpu.memref_slice %arg4[%dma_start3A_7] : memref<98304xf32, #tpu.memory_space<vmem>> -> memref<32768xf32, #tpu.memory_space<vmem>>
    %dma_start3A_9 = tpu.memref_slice %arg2[%add3A_6] : memref<4194304xf32, #tpu.memory_space<hbm>> -> memref<32768xf32, #tpu.memory_space<hbm>>
    %dma_start3A_10 = tpu.memref_slice %arg6[%dma_start3A] : memref<3x!tpu.dma_semaphore, #tpu.memory_space<semaphore_mem>> -> memref<1x!tpu.dma_semaphore, #tpu.memory_space<semaphore_mem>>
    %dma_start3A_11 = tpu.memref_squeeze %dma_start3A_10 : memref<1x!tpu.dma_semaphore, #tpu.memory_space<semaphore_mem>> -> memref<!tpu.dma_semaphore, #tpu.memory_space<semaphore_mem>>
    %dma_start3A_12 = arith.constant 0 : i32
    %dma_start3A_13 = tpu.memref_slice %arg4[%dma_start3A_12] : memref<98304xf32, #tpu.memory_space<vmem>> -> memref<32768xf32, #tpu.memory_space<vmem>>
    %dma_start3A_14 = tpu.memref_slice %arg2[%add3A_6] : memref<4194304xf32, #tpu.memory_space<hbm>> -> memref<32768xf32, #tpu.memory_space<hbm>>
    tpu.enqueue_dma source(%dma_start3A_14 : memref<32768xf32, #tpu.memory_space<hbm>>) target(%dma_start3A_13 : memref<32768xf32, #tpu.memory_space<vmem>>) target_semaphore(%dma_start3A_11 : memref<!tpu.dma_semaphore, #tpu.memory_space<semaphore_mem>>)
    %add3A_15 = arith.constant 32768 : i32
    %add3A_16 = arith.addi %mul3A_4, %add3A_15 : i32
    %dma_start3A_17 = arith.constant 1 : i32
    %dma_start3A_18 = arith.constant 32768 : i32
    %dma_start3A_19 = tpu.memref_slice %arg4[%dma_start3A_18] : memref<98304xf32, #tpu.memory_space<vmem>> -> memref<32768xf32, #tpu.memory_space<vmem>>
    %dma_start3A_20 = tpu.memref_slice %arg2[%add3A_16] : memref<4194304xf32, #tpu.memory_space<hbm>> -> memref<32768xf32, #tpu.memory_space<hbm>>
    %dma_start3A_21 = tpu.memref_slice %arg6[%dma_start3A_17] : memref<3x!tpu.dma_semaphore, #tpu.memory_space<semaphore_mem>> -> memref<1x!tpu.dma_semaphore, #tpu.memory_space<semaphore_mem>>
    %dma_start3A_22 = tpu.memref_squeeze %dma_start3A_21 : memref<1x!tpu.dma_semaphore, #tpu.memory_space<semaphore_mem>> -> memref<!tpu.dma_semaphore, #tpu.memory_space<semaphore_mem>>
    %dma_start3A_23 = arith.constant 32768 : i32
    %dma_start3A_24 = tpu.memref_slice %arg4[%dma_start3A_23] : memref<98304xf32, #tpu.memory_space<vmem>> -> memref<32768xf32, #tpu.memory_space<vmem>>
    %dma_start3A_25 = tpu.memref_slice %arg2[%add3A_16] : memref<4194304xf32, #tpu.memory_space<hbm>> -> memref<32768xf32, #tpu.memory_space<hbm>>
    tpu.enqueue_dma source(%dma_start3A_25 : memref<32768xf32, #tpu.memory_space<hbm>>) target(%dma_start3A_24 : memref<32768xf32, #tpu.memory_space<vmem>>) target_semaphore(%dma_start3A_22 : memref<!tpu.dma_semaphore, #tpu.memory_space<semaphore_mem>>)
    %scan3A = arith.constant 0 : i32
    %scan3A_26 = arith.constant 0 : i32
    %scan3A_27 = arith.constant 4 : i32
    %scan3A_28 = arith.addi %scan3A_26, %scan3A_27 : i32
    %scan3A_29 = arith.constant 1 : i32
    scf.for %scan3A_63 = %scan3A_26 to %scan3A_28 step %scan3A_29  : i32 {
      %jit3A = arith.constant 3 : i32
      %eq3A = arith.constant 0 : i32
      %eq3A_64 = arith.cmpi eq, %jit3A, %eq3A : i32
      %jit3A_65 = arith.constant 1 : i32
      %select_n3A = arith.select %eq3A_64, %jit3A_65, %jit3A : i32
      %rem3A = arith.remsi %scan3A_63, %select_n3A : i32
      %ne3A = arith.constant 0 : i32
      %ne3A_66 = arith.cmpi ne, %rem3A, %ne3A : i32
      %lt3A = arith.constant 0 : i32
      %lt3A_67 = arith.cmpi slt, %rem3A, %lt3A : i32
      %lt3A_68 = arith.constant 0 : i32
      %lt3A_69 = arith.cmpi slt, %select_n3A, %lt3A_68 : i32
      %ne3A_70 = arith.xori %lt3A_67, %lt3A_69 : i1
      %and3A = arith.andi %ne3A_70, %ne3A_66 : i1
      %add3A_71 = arith.addi %rem3A, %select_n3A : i32
      %select_n3A_72 = arith.select %and3A, %add3A_71, %rem3A : i32
      %mul3A_73 = arith.constant 32768 : i32
      %mul3A_74 = arith.muli %scan3A_63, %mul3A_73 : i32
      %add3A_75 = arith.addi %mul3A_4, %mul3A_74 : i32
      %mul3A_76 = arith.constant 32768 : i32
      %mul3A_77 = arith.muli %select_n3A_72, %mul3A_76 : i32
      %dma_wait3A_78 = tpu.memref_slice %arg4[%mul3A_77] : memref<98304xf32, #tpu.memory_space<vmem>> -> memref<32768xf32, #tpu.memory_space<vmem>>
      %dma_wait3A_79 = tpu.memref_slice %arg2[%add3A_75] : memref<4194304xf32, #tpu.memory_space<hbm>> -> memref<32768xf32, #tpu.memory_space<hbm>>
      %dma_wait3A_80 = tpu.memref_slice %arg6[%select_n3A_72] : memref<3x!tpu.dma_semaphore, #tpu.memory_space<semaphore_mem>> -> memref<1x!tpu.dma_semaphore, #tpu.memory_space<semaphore_mem>>
      %dma_wait3A_81 = tpu.memref_squeeze %dma_wait3A_80 : memref<1x!tpu.dma_semaphore, #tpu.memory_space<semaphore_mem>> -> memref<!tpu.dma_semaphore, #tpu.memory_space<semaphore_mem>>
      %dma_wait3A_82 = tpu.memref_slice %arg4[%mul3A_77] : memref<98304xf32, #tpu.memory_space<vmem>> -> memref<32768xf32, #tpu.memory_space<vmem>>
      %dma_wait3A_83 = tpu.memref_slice %arg2[%add3A_75] : memref<4194304xf32, #tpu.memory_space<hbm>> -> memref<32768xf32, #tpu.memory_space<hbm>>
      tpu.wait_dma2 semaphore(%dma_wait3A_81 : memref<!tpu.dma_semaphore, #tpu.memory_space<semaphore_mem>>) src(%dma_wait3A_83 : memref<32768xf32, #tpu.memory_space<hbm>>) dst(%dma_wait3A_82 : memref<32768xf32, #tpu.memory_space<vmem>>)
      %mul3A_84 = arith.constant 32768 : i32
      %mul3A_85 = arith.muli %select_n3A_72, %mul3A_84 : i32
      %broadcast_in_dim3A = arith.constant 0xFF800000 : f32
      %broadcast_in_dim3A_86 = vector.broadcast %broadcast_in_dim3A : f32 to vector<16xf32>
      %parallel_loop3A = arith.constant 0 : i32
      %parallel_loop3A_87 = arith.constant 256 : i32
      %parallel_loop3A_88 = arith.constant 1 : i32
      %parallel_loop3A_89:8 = scf.for %parallel_loop3A_346 = %parallel_loop3A to %parallel_loop3A_87 step %parallel_loop3A_88 iter_args(%parallel_loop3A_347 = %broadcast_in_dim3A_86, %parallel_loop3A_348 = %broadcast_in_dim3A_86, %parallel_loop3A_349 = %broadcast_in_dim3A_86, %parallel_loop3A_350 = %broadcast_in_dim3A_86, %parallel_loop3A_351 = %broadcast_in_dim3A_86, %parallel_loop3A_352 = %broadcast_in_dim3A_86, %parallel_loop3A_353 = %broadcast_in_dim3A_86, %parallel_loop3A_354 = %broadcast_in_dim3A_86) -> (vector<16xf32>, vector<16xf32>, vector<16xf32>, vector<16xf32>, vector<16xf32>, vector<16xf32>, vector<16xf32>, vector<16xf32>)  : i32 {
        %parallel_loop3A_355 = arith.constant 0 : i32
        %parallel_loop3A_356 = arith.addi %parallel_loop3A_355, %parallel_loop3A_346 : i32
        %parallel_loop3A_357 = arith.constant 16 : i32
        %parallel_loop3A_358 = arith.muli %parallel_loop3A_356, %parallel_loop3A_357 : i32
        %parallel_loop3A_359 = tpu.memref_slice %arg4[%mul3A_85] : memref<98304xf32, #tpu.memory_space<vmem>> -> memref<32768xf32, #tpu.memory_space<vmem>>
        %parallel_loop3A_360 = arith.index_cast %parallel_loop3A_358 : i32 to index
        %parallel_loop3A_361 = tpu.vector_load %parallel_loop3A_359[%parallel_loop3A_360] {strides = array<i32>} : memref<32768xf32, #tpu.memory_space<vmem>>, vector<16xf32>,
        %parallel_loop3A_362 = arith.maximumf %parallel_loop3A_347, %parallel_loop3A_361 : vector<16xf32>
        %parallel_loop3A_363 = arith.constant 256 : i32
        %parallel_loop3A_364 = arith.addi %parallel_loop3A_363, %parallel_loop3A_346 : i32
        %parallel_loop3A_365 = arith.constant 16 : i32
        %parallel_loop3A_366 = arith.muli %parallel_loop3A_364, %parallel_loop3A_365 : i32
        %parallel_loop3A_367 = tpu.memref_slice %arg4[%mul3A_85] : memref<98304xf32, #tpu.memory_space<vmem>> -> memref<32768xf32, #tpu.memory_space<vmem>>
        %parallel_loop3A_368 = arith.index_cast %parallel_loop3A_366 : i32 to index
        %parallel_loop3A_369 = tpu.vector_load %parallel_loop3A_367[%parallel_loop3A_368] {strides = array<i32>} : memref<32768xf32, #tpu.memory_space<vmem>>, vector<16xf32>,
        %parallel_loop3A_370 = arith.maximumf %parallel_loop3A_348, %parallel_loop3A_369 : vector<16xf32>
        %parallel_loop3A_371 = arith.constant 512 : i32
        %parallel_loop3A_372 = arith.addi %parallel_loop3A_371, %parallel_loop3A_346 : i32
        %parallel_loop3A_373 = arith.constant 16 : i32
        %parallel_loop3A_374 = arith.muli %parallel_loop3A_372, %parallel_loop3A_373 : i32
        %parallel_loop3A_375 = tpu.memref_slice %arg4[%mul3A_85] : memref<98304xf32, #tpu.memory_space<vmem>> -> memref<32768xf32, #tpu.memory_space<vmem>>
        %parallel_loop3A_376 = arith.index_cast %parallel_loop3A_374 : i32 to index
        %parallel_loop3A_377 = tpu.vector_load %parallel_loop3A_375[%parallel_loop3A_376] {strides = array<i32>} : memref<32768xf32, #tpu.memory_space<vmem>>, vector<16xf32>,
        %parallel_loop3A_378 = arith.maximumf %parallel_loop3A_349, %parallel_loop3A_377 : vector<16xf32>
        %parallel_loop3A_379 = arith.constant 768 : i32
        %parallel_loop3A_380 = arith.addi %parallel_loop3A_379, %parallel_loop3A_346 : i32
        %parallel_loop3A_381 = arith.constant 16 : i32
        %parallel_loop3A_382 = arith.muli %parallel_loop3A_380, %parallel_loop3A_381 : i32
        %parallel_loop3A_383 = tpu.memref_slice %arg4[%mul3A_85] : memref<98304xf32, #tpu.memory_space<vmem>> -> memref<32768xf32, #tpu.memory_space<vmem>>
        %parallel_loop3A_384 = arith.index_cast %parallel_loop3A_382 : i32 to index
        %parallel_loop3A_385 = tpu.vector_load %parallel_loop3A_383[%parallel_loop3A_384] {strides = array<i32>} : memref<32768xf32, #tpu.memory_space<vmem>>, vector<16xf32>,
        %parallel_loop3A_386 = arith.maximumf %parallel_loop3A_350, %parallel_loop3A_385 : vector<16xf32>
        %parallel_loop3A_387 = arith.constant 1024 : i32
        %parallel_loop3A_388 = arith.addi %parallel_loop3A_387, %parallel_loop3A_346 : i32
        %parallel_loop3A_389 = arith.constant 16 : i32
        %parallel_loop3A_390 = arith.muli %parallel_loop3A_388, %parallel_loop3A_389 : i32
        %parallel_loop3A_391 = tpu.memref_slice %arg4[%mul3A_85] : memref<98304xf32, #tpu.memory_space<vmem>> -> memref<32768xf32, #tpu.memory_space<vmem>>
        %parallel_loop3A_392 = arith.index_cast %parallel_loop3A_390 : i32 to index
        %parallel_loop3A_393 = tpu.vector_load %parallel_loop3A_391[%parallel_loop3A_392] {strides = array<i32>} : memref<32768xf32, #tpu.memory_space<vmem>>, vector<16xf32>,
        %parallel_loop3A_394 = arith.maximumf %parallel_loop3A_351, %parallel_loop3A_393 : vector<16xf32>
        %parallel_loop3A_395 = arith.constant 1280 : i32
        %parallel_loop3A_396 = arith.addi %parallel_loop3A_395, %parallel_loop3A_346 : i32
        %parallel_loop3A_397 = arith.constant 16 : i32
        %parallel_loop3A_398 = arith.muli %parallel_loop3A_396, %parallel_loop3A_397 : i32
        %parallel_loop3A_399 = tpu.memref_slice %arg4[%mul3A_85] : memref<98304xf32, #tpu.memory_space<vmem>> -> memref<32768xf32, #tpu.memory_space<vmem>>
        %parallel_loop3A_400 = arith.index_cast %parallel_loop3A_398 : i32 to index
        %parallel_loop3A_401 = tpu.vector_load %parallel_loop3A_399[%parallel_loop3A_400] {strides = array<i32>} : memref<32768xf32, #tpu.memory_space<vmem>>, vector<16xf32>,
        %parallel_loop3A_402 = arith.maximumf %parallel_loop3A_352, %parallel_loop3A_401 : vector<16xf32>
        %parallel_loop3A_403 = arith.constant 1536 : i32
        %parallel_loop3A_404 = arith.addi %parallel_loop3A_403, %parallel_loop3A_346 : i32
        %parallel_loop3A_405 = arith.constant 16 : i32
        %parallel_loop3A_406 = arith.muli %parallel_loop3A_404, %parallel_loop3A_405 : i32
        %parallel_loop3A_407 = tpu.memref_slice %arg4[%mul3A_85] : memref<98304xf32, #tpu.memory_space<vmem>> -> memref<32768xf32, #tpu.memory_space<vmem>>
        %parallel_loop3A_408 = arith.index_cast %parallel_loop3A_406 : i32 to index
        %parallel_loop3A_409 = tpu.vector_load %parallel_loop3A_407[%parallel_loop3A_408] {strides = array<i32>} : memref<32768xf32, #tpu.memory_space<vmem>>, vector<16xf32>,
        %parallel_loop3A_410 = arith.maximumf %parallel_loop3A_353, %parallel_loop3A_409 : vector<16xf32>
        %parallel_loop3A_411 = arith.constant 1792 : i32
        %parallel_loop3A_412 = arith.addi %parallel_loop3A_411, %parallel_loop3A_346 : i32
        %parallel_loop3A_413 = arith.constant 16 : i32
        %parallel_loop3A_414 = arith.muli %parallel_loop3A_412, %parallel_loop3A_413 : i32
        %parallel_loop3A_415 = tpu.memref_slice %arg4[%mul3A_85] : memref<98304xf32, #tpu.memory_space<vmem>> -> memref<32768xf32, #tpu.memory_space<vmem>>
        %parallel_loop3A_416 = arith.index_cast %parallel_loop3A_414 : i32 to index
        %parallel_loop3A_417 = tpu.vector_load %parallel_loop3A_415[%parallel_loop3A_416] {strides = array<i32>} : memref<32768xf32, #tpu.memory_space<vmem>>, vector<16xf32>,
        %parallel_loop3A_418 = arith.maximumf %parallel_loop3A_354, %parallel_loop3A_417 : vector<16xf32>
        scf.yield %parallel_loop3A_362, %parallel_loop3A_370, %parallel_loop3A_378, %parallel_loop3A_386, %parallel_loop3A_394, %parallel_loop3A_402, %parallel_loop3A_410, %parallel_loop3A_418 : vector<16xf32>, vector<16xf32>, vector<16xf32>, vector<16xf32>, vector<16xf32>, vector<16xf32>, vector<16xf32>, vector<16xf32>
      } {sc.loop_unroll_factor = 2 : i64, sc.parallel_access}
      %bitcast_convert_type3A = tpu.bitcast %parallel_loop3A_89#0 : vector<16xf32> -> vector<16xi32>
      %shift_right_arithmetic3A = arith.constant 31 : i32
      %shift_right_arithmetic3A_90 = vector.broadcast %shift_right_arithmetic3A : i32 to vector<16xi32>
      %shift_right_arithmetic3A_91 = arith.shrsi %bitcast_convert_type3A, %shift_right_arithmetic3A_90 : vector<16xi32>
      %or3A = arith.constant -2147483648 : i32
      %or3A_92 = vector.broadcast %or3A : i32 to vector<16xi32>
      %or3A_93 = arith.ori %shift_right_arithmetic3A_91, %or3A_92 : vector<16xi32>
      %xor3A = arith.xori %bitcast_convert_type3A, %or3A_93 : vector<16xi32>
      %bitcast_convert_type3A_94 = tpu.bitcast %xor3A : vector<16xi32> -> vector<16xi32>
      %bitcast_convert_type3A_95 = tpu.bitcast %parallel_loop3A_89#1 : vector<16xf32> -> vector<16xi32>
      %shift_right_arithmetic3A_96 = arith.constant 31 : i32
      %shift_right_arithmetic3A_97 = vector.broadcast %shift_right_arithmetic3A_96 : i32 to vector<16xi32>
      %shift_right_arithmetic3A_98 = arith.shrsi %bitcast_convert_type3A_95, %shift_right_arithmetic3A_97 : vector<16xi32>
      %or3A_99 = arith.constant -2147483648 : i32
      %or3A_100 = vector.broadcast %or3A_99 : i32 to vector<16xi32>
      %or3A_101 = arith.ori %shift_right_arithmetic3A_98, %or3A_100 : vector<16xi32>
      %xor3A_102 = arith.xori %bitcast_convert_type3A_95, %or3A_101 : vector<16xi32>
      %bitcast_convert_type3A_103 = tpu.bitcast %xor3A_102 : vector<16xi32> -> vector<16xi32>
      %bitcast_convert_type3A_104 = tpu.bitcast %parallel_loop3A_89#2 : vector<16xf32> -> vector<16xi32>
      %shift_right_arithmetic3A_105 = arith.constant 31 : i32
      %shift_right_arithmetic3A_106 = vector.broadcast %shift_right_arithmetic3A_105 : i32 to vector<16xi32>
      %shift_right_arithmetic3A_107 = arith.shrsi %bitcast_convert_type3A_104, %shift_right_arithmetic3A_106 : vector<16xi32>
      %or3A_108 = arith.constant -2147483648 : i32
      %or3A_109 = vector.broadcast %or3A_108 : i32 to vector<16xi32>
      %or3A_110 = arith.ori %shift_right_arithmetic3A_107, %or3A_109 : vector<16xi32>
      %xor3A_111 = arith.xori %bitcast_convert_type3A_104, %or3A_110 : vector<16xi32>
      %bitcast_convert_type3A_112 = tpu.bitcast %xor3A_111 : vector<16xi32> -> vector<16xi32>
      %bitcast_convert_type3A_113 = tpu.bitcast %parallel_loop3A_89#3 : vector<16xf32> -> vector<16xi32>
      %shift_right_arithmetic3A_114 = arith.constant 31 : i32
      %shift_right_arithmetic3A_115 = vector.broadcast %shift_right_arithmetic3A_114 : i32 to vector<16xi32>
      %shift_right_arithmetic3A_116 = arith.shrsi %bitcast_convert_type3A_113, %shift_right_arithmetic3A_115 : vector<16xi32>
      %or3A_117 = arith.constant -2147483648 : i32
      %or3A_118 = vector.broadcast %or3A_117 : i32 to vector<16xi32>
      %or3A_119 = arith.ori %shift_right_arithmetic3A_116, %or3A_118 : vector<16xi32>
      %xor3A_120 = arith.xori %bitcast_convert_type3A_113, %or3A_119 : vector<16xi32>
      %bitcast_convert_type3A_121 = tpu.bitcast %xor3A_120 : vector<16xi32> -> vector<16xi32>
      %bitcast_convert_type3A_122 = tpu.bitcast %parallel_loop3A_89#4 : vector<16xf32> -> vector<16xi32>
      %shift_right_arithmetic3A_123 = arith.constant 31 : i32
      %shift_right_arithmetic3A_124 = vector.broadcast %shift_right_arithmetic3A_123 : i32 to vector<16xi32>
      %shift_right_arithmetic3A_125 = arith.shrsi %bitcast_convert_type3A_122, %shift_right_arithmetic3A_124 : vector<16xi32>
      %or3A_126 = arith.constant -2147483648 : i32
      %or3A_127 = vector.broadcast %or3A_126 : i32 to vector<16xi32>
      %or3A_128 = arith.ori %shift_right_arithmetic3A_125, %or3A_127 : vector<16xi32>
      %xor3A_129 = arith.xori %bitcast_convert_type3A_122, %or3A_128 : vector<16xi32>
      %bitcast_convert_type3A_130 = tpu.bitcast %xor3A_129 : vector<16xi32> -> vector<16xi32>
      %bitcast_convert_type3A_131 = tpu.bitcast %parallel_loop3A_89#5 : vector<16xf32> -> vector<16xi32>
      %shift_right_arithmetic3A_132 = arith.constant 31 : i32
      %shift_right_arithmetic3A_133 = vector.broadcast %shift_right_arithmetic3A_132 : i32 to vector<16xi32>
      %shift_right_arithmetic3A_134 = arith.shrsi %bitcast_convert_type3A_131, %shift_right_arithmetic3A_133 : vector<16xi32>
      %or3A_135 = arith.constant -2147483648 : i32
      %or3A_136 = vector.broadcast %or3A_135 : i32 to vector<16xi32>
      %or3A_137 = arith.ori %shift_right_arithmetic3A_134, %or3A_136 : vector<16xi32>
      %xor3A_138 = arith.xori %bitcast_convert_type3A_131, %or3A_137 : vector<16xi32>
      %bitcast_convert_type3A_139 = tpu.bitcast %xor3A_138 : vector<16xi32> -> vector<16xi32>
      %bitcast_convert_type3A_140 = tpu.bitcast %parallel_loop3A_89#6 : vector<16xf32> -> vector<16xi32>
      %shift_right_arithmetic3A_141 = arith.constant 31 : i32
      %shift_right_arithmetic3A_142 = vector.broadcast %shift_right_arithmetic3A_141 : i32 to vector<16xi32>
      %shift_right_arithmetic3A_143 = arith.shrsi %bitcast_convert_type3A_140, %shift_right_arithmetic3A_142 : vector<16xi32>
      %or3A_144 = arith.constant -2147483648 : i32
      %or3A_145 = vector.broadcast %or3A_144 : i32 to vector<16xi32>
      %or3A_146 = arith.ori %shift_right_arithmetic3A_143, %or3A_145 : vector<16xi32>
      %xor3A_147 = arith.xori %bitcast_convert_type3A_140, %or3A_146 : vector<16xi32>
      %bitcast_convert_type3A_148 = tpu.bitcast %xor3A_147 : vector<16xi32> -> vector<16xi32>
      %bitcast_convert_type3A_149 = tpu.bitcast %parallel_loop3A_89#7 : vector<16xf32> -> vector<16xi32>
      %shift_right_arithmetic3A_150 = arith.constant 31 : i32
      %shift_right_arithmetic3A_151 = vector.broadcast %shift_right_arithmetic3A_150 : i32 to vector<16xi32>
      %shift_right_arithmetic3A_152 = arith.shrsi %bitcast_convert_type3A_149, %shift_right_arithmetic3A_151 : vector<16xi32>
      %or3A_153 = arith.constant -2147483648 : i32
      %or3A_154 = vector.broadcast %or3A_153 : i32 to vector<16xi32>
      %or3A_155 = arith.ori %shift_right_arithmetic3A_152, %or3A_154 : vector<16xi32>
      %xor3A_156 = arith.xori %bitcast_convert_type3A_149, %or3A_155 : vector<16xi32>
      %bitcast_convert_type3A_157 = tpu.bitcast %xor3A_156 : vector<16xi32> -> vector<16xi32>
      %broadcast_in_dim3A_158 = arith.constant 0 : i32
      %broadcast_in_dim3A_159 = vector.broadcast %broadcast_in_dim3A_158 : i32 to vector<16xi32>
      %broadcast_in_dim3A_160 = arith.constant -2147483648 : i32
      %broadcast_in_dim3A_161 = vector.broadcast %broadcast_in_dim3A_160 : i32 to vector<16xi32>
      %scan3A_162 = arith.constant 0 : i32
      %scan3A_163 = arith.constant 32 : i32
      %scan3A_164 = arith.addi %scan3A_162, %scan3A_163 : i32
      %scan3A_165 = arith.constant 1 : i32
      %scan3A_166:2 = scf.for %scan3A_346 = %scan3A_162 to %scan3A_164 step %scan3A_165 iter_args(%scan3A_347 = %broadcast_in_dim3A_159, %scan3A_348 = %broadcast_in_dim3A_161) -> (vector<16xi32>, vector<16xi32>)  : i32 {
        %or3A_349 = arith.ori %scan3A_347, %scan3A_348 : vector<16xi32>
        %ge3A_350 = arith.cmpi uge, %bitcast_convert_type3A_94, %or3A_349 : vector<16xi32>
        %all_reduce_population_count3A = tpu.all_reduce %ge3A_350 {dim = 0 : i64, kind = #tpu.reduction_kind<sum>} : vector<16xi1> -> vector<16xi32>
        %ge3A_351 = arith.cmpi uge, %bitcast_convert_type3A_103, %or3A_349 : vector<16xi32>
        %all_reduce_population_count3A_352 = tpu.all_reduce %ge3A_351 {dim = 0 : i64, kind = #tpu.reduction_kind<sum>} : vector<16xi1> -> vector<16xi32>
        %ge3A_353 = arith.cmpi uge, %bitcast_convert_type3A_112, %or3A_349 : vector<16xi32>
        %all_reduce_population_count3A_354 = tpu.all_reduce %ge3A_353 {dim = 0 : i64, kind = #tpu.reduction_kind<sum>} : vector<16xi1> -> vector<16xi32>
        %ge3A_355 = arith.cmpi uge, %bitcast_convert_type3A_121, %or3A_349 : vector<16xi32>
        %all_reduce_population_count3A_356 = tpu.all_reduce %ge3A_355 {dim = 0 : i64, kind = #tpu.reduction_kind<sum>} : vector<16xi1> -> vector<16xi32>
        %ge3A_357 = arith.cmpi uge, %bitcast_convert_type3A_130, %or3A_349 : vector<16xi32>
        %all_reduce_population_count3A_358 = tpu.all_reduce %ge3A_357 {dim = 0 : i64, kind = #tpu.reduction_kind<sum>} : vector<16xi1> -> vector<16xi32>
        %ge3A_359 = arith.cmpi uge, %bitcast_convert_type3A_139, %or3A_349 : vector<16xi32>
        %all_reduce_population_count3A_360 = tpu.all_reduce %ge3A_359 {dim = 0 : i64, kind = #tpu.reduction_kind<sum>} : vector<16xi1> -> vector<16xi32>
        %ge3A_361 = arith.cmpi uge, %bitcast_convert_type3A_148, %or3A_349 : vector<16xi32>
        %all_reduce_population_count3A_362 = tpu.all_reduce %ge3A_361 {dim = 0 : i64, kind = #tpu.reduction_kind<sum>} : vector<16xi1> -> vector<16xi32>
        %ge3A_363 = arith.cmpi uge, %bitcast_convert_type3A_157, %or3A_349 : vector<16xi32>
        %all_reduce_population_count3A_364 = tpu.all_reduce %ge3A_363 {dim = 0 : i64, kind = #tpu.reduction_kind<sum>} : vector<16xi1> -> vector<16xi32>
        %add3A_365 = arith.addi %all_reduce_population_count3A, %all_reduce_population_count3A_352 : vector<16xi32>
        %add3A_366 = arith.addi %all_reduce_population_count3A_354, %all_reduce_population_count3A_356 : vector<16xi32>
        %add3A_367 = arith.addi %all_reduce_population_count3A_358, %all_reduce_population_count3A_360 : vector<16xi32>
        %add3A_368 = arith.addi %all_reduce_population_count3A_362, %all_reduce_population_count3A_364 : vector<16xi32>
        %add3A_369 = arith.addi %add3A_365, %add3A_366 : vector<16xi32>
        %add3A_370 = arith.addi %add3A_367, %add3A_368 : vector<16xi32>
        %add3A_371 = arith.addi %add3A_369, %add3A_370 : vector<16xi32>
        %ge3A_372 = arith.constant 64 : i32
        %ge3A_373 = vector.broadcast %ge3A_372 : i32 to vector<16xi32>
        %ge3A_374 = arith.cmpi sge, %add3A_371, %ge3A_373 : vector<16xi32>
        %select_n3A_375 = arith.select %ge3A_374, %or3A_349, %scan3A_347 : vector<16xi1>, vector<16xi32>
        %shift_right_logical3A = arith.constant 1 : i32
        %shift_right_logical3A_376 = vector.broadcast %shift_right_logical3A : i32 to vector<16xi32>
        %shift_right_logical3A_377 = arith.shrui %scan3A_348, %shift_right_logical3A_376 : vector<16xi32>
        scf.yield %select_n3A_375, %shift_right_logical3A_377 : vector<16xi32>, vector<16xi32>
      }
      %scan3A_167 = arith.constant 32 : i32
      %bitcast_convert_type3A_168 = tpu.bitcast %scan3A_166#0 : vector<16xi32> -> vector<16xi32>
      %shift_right_arithmetic3A_169 = arith.constant 31 : i32
      %shift_right_arithmetic3A_170 = vector.broadcast %shift_right_arithmetic3A_169 : i32 to vector<16xi32>
      %shift_right_arithmetic3A_171 = arith.shrsi %bitcast_convert_type3A_168, %shift_right_arithmetic3A_170 : vector<16xi32>
      %not3A = arith.constant dense<-1> : vector<16xi32>
      %not3A_172 = arith.xori %shift_right_arithmetic3A_171, %not3A : vector<16xi32>
      %or3A_173 = arith.constant -2147483648 : i32
      %or3A_174 = vector.broadcast %or3A_173 : i32 to vector<16xi32>
      %or3A_175 = arith.ori %not3A_172, %or3A_174 : vector<16xi32>
      %xor3A_176 = arith.xori %bitcast_convert_type3A_168, %or3A_175 : vector<16xi32>
      %bitcast_convert_type3A_177 = tpu.bitcast %xor3A_176 : vector<16xi32> -> vector<16xf32>
      %broadcast_in_dim3A_178 = arith.constant 0xFF800000 : f32
      %broadcast_in_dim3A_179 = vector.broadcast %broadcast_in_dim3A_178 : f32 to vector<16xf32>
      %swap3A = arith.constant 0 : index
      %swap3A_180 = tpu.vector_load %arg5[%swap3A] {strides = array<i32>} : memref<512xf32, #tpu.memory_space<vmem>>, vector<16xf32>,
      tpu.vector_store %arg5[%swap3A], %broadcast_in_dim3A_179 {strides = array<i32>} : memref<512xf32, #tpu.memory_space<vmem>>, vector<16xf32>,
      %swap3A_181 = arith.constant 16 : index
      %swap3A_182 = tpu.vector_load %arg5[%swap3A_181] {strides = array<i32>} : memref<512xf32, #tpu.memory_space<vmem>>, vector<16xf32>,
      tpu.vector_store %arg5[%swap3A_181], %broadcast_in_dim3A_179 {strides = array<i32>} : memref<512xf32, #tpu.memory_space<vmem>>, vector<16xf32>,
      %swap3A_183 = arith.constant 32 : index
      %swap3A_184 = tpu.vector_load %arg5[%swap3A_183] {strides = array<i32>} : memref<512xf32, #tpu.memory_space<vmem>>, vector<16xf32>,
      tpu.vector_store %arg5[%swap3A_183], %broadcast_in_dim3A_179 {strides = array<i32>} : memref<512xf32, #tpu.memory_space<vmem>>, vector<16xf32>,
      %swap3A_185 = arith.constant 48 : index
      %swap3A_186 = tpu.vector_load %arg5[%swap3A_185] {strides = array<i32>} : memref<512xf32, #tpu.memory_space<vmem>>, vector<16xf32>,
      tpu.vector_store %arg5[%swap3A_185], %broadcast_in_dim3A_179 {strides = array<i32>} : memref<512xf32, #tpu.memory_space<vmem>>, vector<16xf32>,
      %swap3A_187 = arith.constant 64 : index
      %swap3A_188 = tpu.vector_load %arg5[%swap3A_187] {strides = array<i32>} : memref<512xf32, #tpu.memory_space<vmem>>, vector<16xf32>,
      tpu.vector_store %arg5[%swap3A_187], %broadcast_in_dim3A_179 {strides = array<i32>} : memref<512xf32, #tpu.memory_space<vmem>>, vector<16xf32>,
      %swap3A_189 = arith.constant 80 : index
      %swap3A_190 = tpu.vector_load %arg5[%swap3A_189] {strides = array<i32>} : memref<512xf32, #tpu.memory_space<vmem>>, vector<16xf32>,
      tpu.vector_store %arg5[%swap3A_189], %broadcast_in_dim3A_179 {strides = array<i32>} : memref<512xf32, #tpu.memory_space<vmem>>, vector<16xf32>,
      %swap3A_191 = arith.constant 96 : index
      %swap3A_192 = tpu.vector_load %arg5[%swap3A_191] {strides = array<i32>} : memref<512xf32, #tpu.memory_space<vmem>>, vector<16xf32>,
      tpu.vector_store %arg5[%swap3A_191], %broadcast_in_dim3A_179 {strides = array<i32>} : memref<512xf32, #tpu.memory_space<vmem>>, vector<16xf32>,
      %swap3A_193 = arith.constant 112 : index
      %swap3A_194 = tpu.vector_load %arg5[%swap3A_193] {strides = array<i32>} : memref<512xf32, #tpu.memory_space<vmem>>, vector<16xf32>,
      tpu.vector_store %arg5[%swap3A_193], %broadcast_in_dim3A_179 {strides = array<i32>} : memref<512xf32, #tpu.memory_space<vmem>>, vector<16xf32>,
      %swap3A_195 = arith.constant 128 : index
      %swap3A_196 = tpu.vector_load %arg5[%swap3A_195] {strides = array<i32>} : memref<512xf32, #tpu.memory_space<vmem>>, vector<16xf32>,
      tpu.vector_store %arg5[%swap3A_195], %broadcast_in_dim3A_179 {strides = array<i32>} : memref<512xf32, #tpu.memory_space<vmem>>, vector<16xf32>,
      %swap3A_197 = arith.constant 144 : index
      %swap3A_198 = tpu.vector_load %arg5[%swap3A_197] {strides = array<i32>} : memref<512xf32, #tpu.memory_space<vmem>>, vector<16xf32>,
      tpu.vector_store %arg5[%swap3A_197], %broadcast_in_dim3A_179 {strides = array<i32>} : memref<512xf32, #tpu.memory_space<vmem>>, vector<16xf32>,
      %swap3A_199 = arith.constant 160 : index
      %swap3A_200 = tpu.vector_load %arg5[%swap3A_199] {strides = array<i32>} : memref<512xf32, #tpu.memory_space<vmem>>, vector<16xf32>,
      tpu.vector_store %arg5[%swap3A_199], %broadcast_in_dim3A_179 {strides = array<i32>} : memref<512xf32, #tpu.memory_space<vmem>>, vector<16xf32>,
      %swap3A_201 = arith.constant 176 : index
      %swap3A_202 = tpu.vector_load %arg5[%swap3A_201] {strides = array<i32>} : memref<512xf32, #tpu.memory_space<vmem>>, vector<16xf32>,
      tpu.vector_store %arg5[%swap3A_201], %broadcast_in_dim3A_179 {strides = array<i32>} : memref<512xf32, #tpu.memory_space<vmem>>, vector<16xf32>,
      %swap3A_203 = arith.constant 192 : index
      %swap3A_204 = tpu.vector_load %arg5[%swap3A_203] {strides = array<i32>} : memref<512xf32, #tpu.memory_space<vmem>>, vector<16xf32>,
      tpu.vector_store %arg5[%swap3A_203], %broadcast_in_dim3A_179 {strides = array<i32>} : memref<512xf32, #tpu.memory_space<vmem>>, vector<16xf32>,
      %swap3A_205 = arith.constant 208 : index
      %swap3A_206 = tpu.vector_load %arg5[%swap3A_205] {strides = array<i32>} : memref<512xf32, #tpu.memory_space<vmem>>, vector<16xf32>,
      tpu.vector_store %arg5[%swap3A_205], %broadcast_in_dim3A_179 {strides = array<i32>} : memref<512xf32, #tpu.memory_space<vmem>>, vector<16xf32>,
      %swap3A_207 = arith.constant 224 : index
      %swap3A_208 = tpu.vector_load %arg5[%swap3A_207] {strides = array<i32>} : memref<512xf32, #tpu.memory_space<vmem>>, vector<16xf32>,
      tpu.vector_store %arg5[%swap3A_207], %broadcast_in_dim3A_179 {strides = array<i32>} : memref<512xf32, #tpu.memory_space<vmem>>, vector<16xf32>,
      %swap3A_209 = arith.constant 240 : index
      %swap3A_210 = tpu.vector_load %arg5[%swap3A_209] {strides = array<i32>} : memref<512xf32, #tpu.memory_space<vmem>>, vector<16xf32>,
      tpu.vector_store %arg5[%swap3A_209], %broadcast_in_dim3A_179 {strides = array<i32>} : memref<512xf32, #tpu.memory_space<vmem>>, vector<16xf32>,
      %swap3A_211 = arith.constant 256 : index
      %swap3A_212 = tpu.vector_load %arg5[%swap3A_211] {strides = array<i32>} : memref<512xf32, #tpu.memory_space<vmem>>, vector<16xf32>,
      tpu.vector_store %arg5[%swap3A_211], %broadcast_in_dim3A_179 {strides = array<i32>} : memref<512xf32, #tpu.memory_space<vmem>>, vector<16xf32>,
      %swap3A_213 = arith.constant 272 : index
      %swap3A_214 = tpu.vector_load %arg5[%swap3A_213] {strides = array<i32>} : memref<512xf32, #tpu.memory_space<vmem>>, vector<16xf32>,
      tpu.vector_store %arg5[%swap3A_213], %broadcast_in_dim3A_179 {strides = array<i32>} : memref<512xf32, #tpu.memory_space<vmem>>, vector<16xf32>,
      %swap3A_215 = arith.constant 288 : index
      %swap3A_216 = tpu.vector_load %arg5[%swap3A_215] {strides = array<i32>} : memref<512xf32, #tpu.memory_space<vmem>>, vector<16xf32>,
      tpu.vector_store %arg5[%swap3A_215], %broadcast_in_dim3A_179 {strides = array<i32>} : memref<512xf32, #tpu.memory_space<vmem>>, vector<16xf32>,
      %swap3A_217 = arith.constant 304 : index
      %swap3A_218 = tpu.vector_load %arg5[%swap3A_217] {strides = array<i32>} : memref<512xf32, #tpu.memory_space<vmem>>, vector<16xf32>,
      tpu.vector_store %arg5[%swap3A_217], %broadcast_in_dim3A_179 {strides = array<i32>} : memref<512xf32, #tpu.memory_space<vmem>>, vector<16xf32>,
      %swap3A_219 = arith.constant 320 : index
      %swap3A_220 = tpu.vector_load %arg5[%swap3A_219] {strides = array<i32>} : memref<512xf32, #tpu.memory_space<vmem>>, vector<16xf32>,
      tpu.vector_store %arg5[%swap3A_219], %broadcast_in_dim3A_179 {strides = array<i32>} : memref<512xf32, #tpu.memory_space<vmem>>, vector<16xf32>,
      %swap3A_221 = arith.constant 336 : index
      %swap3A_222 = tpu.vector_load %arg5[%swap3A_221] {strides = array<i32>} : memref<512xf32, #tpu.memory_space<vmem>>, vector<16xf32>,
      tpu.vector_store %arg5[%swap3A_221], %broadcast_in_dim3A_179 {strides = array<i32>} : memref<512xf32, #tpu.memory_space<vmem>>, vector<16xf32>,
      %swap3A_223 = arith.constant 352 : index
      %swap3A_224 = tpu.vector_load %arg5[%swap3A_223] {strides = array<i32>} : memref<512xf32, #tpu.memory_space<vmem>>, vector<16xf32>,
      tpu.vector_store %arg5[%swap3A_223], %broadcast_in_dim3A_179 {strides = array<i32>} : memref<512xf32, #tpu.memory_space<vmem>>, vector<16xf32>,
      %swap3A_225 = arith.constant 368 : index
      %swap3A_226 = tpu.vector_load %arg5[%swap3A_225] {strides = array<i32>} : memref<512xf32, #tpu.memory_space<vmem>>, vector<16xf32>,
      tpu.vector_store %arg5[%swap3A_225], %broadcast_in_dim3A_179 {strides = array<i32>} : memref<512xf32, #tpu.memory_space<vmem>>, vector<16xf32>,
      %swap3A_227 = arith.constant 384 : index
      %swap3A_228 = tpu.vector_load %arg5[%swap3A_227] {strides = array<i32>} : memref<512xf32, #tpu.memory_space<vmem>>, vector<16xf32>,
      tpu.vector_store %arg5[%swap3A_227], %broadcast_in_dim3A_179 {strides = array<i32>} : memref<512xf32, #tpu.memory_space<vmem>>, vector<16xf32>,
      %swap3A_229 = arith.constant 400 : index
      %swap3A_230 = tpu.vector_load %arg5[%swap3A_229] {strides = array<i32>} : memref<512xf32, #tpu.memory_space<vmem>>, vector<16xf32>,
      tpu.vector_store %arg5[%swap3A_229], %broadcast_in_dim3A_179 {strides = array<i32>} : memref<512xf32, #tpu.memory_space<vmem>>, vector<16xf32>,
      %swap3A_231 = arith.constant 416 : index
      %swap3A_232 = tpu.vector_load %arg5[%swap3A_231] {strides = array<i32>} : memref<512xf32, #tpu.memory_space<vmem>>, vector<16xf32>,
      tpu.vector_store %arg5[%swap3A_231], %broadcast_in_dim3A_179 {strides = array<i32>} : memref<512xf32, #tpu.memory_space<vmem>>, vector<16xf32>,
      %swap3A_233 = arith.constant 432 : index
      %swap3A_234 = tpu.vector_load %arg5[%swap3A_233] {strides = array<i32>} : memref<512xf32, #tpu.memory_space<vmem>>, vector<16xf32>,
      tpu.vector_store %arg5[%swap3A_233], %broadcast_in_dim3A_179 {strides = array<i32>} : memref<512xf32, #tpu.memory_space<vmem>>, vector<16xf32>,
      %swap3A_235 = arith.constant 448 : index
      %swap3A_236 = tpu.vector_load %arg5[%swap3A_235] {strides = array<i32>} : memref<512xf32, #tpu.memory_space<vmem>>, vector<16xf32>,
      tpu.vector_store %arg5[%swap3A_235], %broadcast_in_dim3A_179 {strides = array<i32>} : memref<512xf32, #tpu.memory_space<vmem>>, vector<16xf32>,
      %swap3A_237 = arith.constant 464 : index
      %swap3A_238 = tpu.vector_load %arg5[%swap3A_237] {strides = array<i32>} : memref<512xf32, #tpu.memory_space<vmem>>, vector<16xf32>,
      tpu.vector_store %arg5[%swap3A_237], %broadcast_in_dim3A_179 {strides = array<i32>} : memref<512xf32, #tpu.memory_space<vmem>>, vector<16xf32>,
      %swap3A_239 = arith.constant 480 : index
      %swap3A_240 = tpu.vector_load %arg5[%swap3A_239] {strides = array<i32>} : memref<512xf32, #tpu.memory_space<vmem>>, vector<16xf32>,
      tpu.vector_store %arg5[%swap3A_239], %broadcast_in_dim3A_179 {strides = array<i32>} : memref<512xf32, #tpu.memory_space<vmem>>, vector<16xf32>,
      %swap3A_241 = arith.constant 496 : index
      %swap3A_242 = tpu.vector_load %arg5[%swap3A_241] {strides = array<i32>} : memref<512xf32, #tpu.memory_space<vmem>>, vector<16xf32>,
      tpu.vector_store %arg5[%swap3A_241], %broadcast_in_dim3A_179 {strides = array<i32>} : memref<512xf32, #tpu.memory_space<vmem>>, vector<16xf32>,
      %iota3A = tpu.iota {dimensions = array<i32: 0>} : vector<16xi32>
      %broadcast_in_dim3A_243 = arith.constant 0 : i32
      %broadcast_in_dim3A_244 = vector.broadcast %broadcast_in_dim3A_243 : i32 to vector<16xi32>
      %broadcast_in_dim3A_245 = arith.constant 256 : i32
      %broadcast_in_dim3A_246 = vector.broadcast %broadcast_in_dim3A_245 : i32 to vector<16xi32>
      %parallel_loop3A_247 = arith.constant 0 : i32
      %parallel_loop3A_248 = arith.constant 1024 : i32
      %parallel_loop3A_249 = arith.constant 1 : i32
      %parallel_loop3A_250:2 = scf.for %parallel_loop3A_346 = %parallel_loop3A_247 to %parallel_loop3A_248 step %parallel_loop3A_249 iter_args(%parallel_loop3A_347 = %broadcast_in_dim3A_244, %parallel_loop3A_348 = %broadcast_in_dim3A_246) -> (vector<16xi32>, vector<16xi32>)  : i32 {
        %parallel_loop3A_349 = arith.constant 2 : i32
        %parallel_loop3A_350 = arith.muli %parallel_loop3A_349, %parallel_loop3A_346 : i32
        %parallel_loop3A_351 = arith.constant 16 : i32
        %parallel_loop3A_352 = arith.muli %parallel_loop3A_350, %parallel_loop3A_351 : i32
        %parallel_loop3A_353 = tpu.memref_slice %arg4[%mul3A_85] : memref<98304xf32, #tpu.memory_space<vmem>> -> memref<32768xf32, #tpu.memory_space<vmem>>
        %parallel_loop3A_354 = arith.index_cast %parallel_loop3A_352 : i32 to index
        %parallel_loop3A_355 = tpu.vector_load %parallel_loop3A_353[%parallel_loop3A_354] {strides = array<i32>} : memref<32768xf32, #tpu.memory_space<vmem>>, vector<16xf32>,
        %parallel_loop3A_356 = arith.constant 2 : i32
        %parallel_loop3A_357 = arith.muli %parallel_loop3A_356, %parallel_loop3A_346 : i32
        %parallel_loop3A_358 = arith.constant 1 : i32
        %parallel_loop3A_359 = arith.addi %parallel_loop3A_357, %parallel_loop3A_358 : i32
        %parallel_loop3A_360 = arith.constant 16 : i32
        %parallel_loop3A_361 = arith.muli %parallel_loop3A_359, %parallel_loop3A_360 : i32
        %parallel_loop3A_362 = tpu.memref_slice %arg4[%mul3A_85] : memref<98304xf32, #tpu.memory_space<vmem>> -> memref<32768xf32, #tpu.memory_space<vmem>>
        %parallel_loop3A_363 = arith.index_cast %parallel_loop3A_361 : i32 to index
        %parallel_loop3A_364 = tpu.vector_load %parallel_loop3A_362[%parallel_loop3A_363] {strides = array<i32>} : memref<32768xf32, #tpu.memory_space<vmem>>, vector<16xf32>,
        %parallel_loop3A_365 = arith.cmpf oge, %parallel_loop3A_355, %bitcast_convert_type3A_177 : vector<16xf32>
        %parallel_loop3A_366 = arith.cmpf oge, %parallel_loop3A_364, %bitcast_convert_type3A_177 : vector<16xf32>
        %parallel_loop3A_367 = arith.constant 256 : i32
        %parallel_loop3A_368 = vector.broadcast %parallel_loop3A_367 : i32 to vector<16xi32>
        %parallel_loop3A_369 = arith.cmpi slt, %parallel_loop3A_347, %parallel_loop3A_368 : vector<16xi32>
        %parallel_loop3A_370 = arith.andi %parallel_loop3A_365, %parallel_loop3A_369 : vector<16xi1>
        %parallel_loop3A_371 = arith.constant 512 : i32
        %parallel_loop3A_372 = vector.broadcast %parallel_loop3A_371 : i32 to vector<16xi32>
        %parallel_loop3A_373 = arith.cmpi slt, %parallel_loop3A_348, %parallel_loop3A_372 : vector<16xi32>
        %parallel_loop3A_374 = arith.andi %parallel_loop3A_366, %parallel_loop3A_373 : vector<16xi1>
        %parallel_loop3A_375 = arith.addi %parallel_loop3A_347, %iota3A : vector<16xi32>
        tpu.vector_store_idx %arg5[%parallel_loop3A_375], %parallel_loop3A_355 masked %parallel_loop3A_370 : memref<512xf32, #tpu.memory_space<vmem>>[vector<16xi32>], vector<16xf32>, vector<16xi1>
        %parallel_loop3A_376 = arith.addi %parallel_loop3A_348, %iota3A : vector<16xi32>
        tpu.vector_store_idx %arg5[%parallel_loop3A_376], %parallel_loop3A_364 masked %parallel_loop3A_374 : memref<512xf32, #tpu.memory_space<vmem>>[vector<16xi32>], vector<16xf32>, vector<16xi1>
        %parallel_loop3A_377 = arith.constant 16 : i32
        %parallel_loop3A_378 = arith.constant 0 : i32
        %parallel_loop3A_379 = vector.broadcast %parallel_loop3A_377 : i32 to vector<16xi32>
        %parallel_loop3A_380 = vector.broadcast %parallel_loop3A_378 : i32 to vector<16xi32>
        %parallel_loop3A_381 = arith.select %parallel_loop3A_365, %parallel_loop3A_379, %parallel_loop3A_380 : vector<16xi1>, vector<16xi32>
        %parallel_loop3A_382 = arith.addi %parallel_loop3A_347, %parallel_loop3A_381 : vector<16xi32>
        %parallel_loop3A_383 = arith.constant 16 : i32
        %parallel_loop3A_384 = arith.constant 0 : i32
        %parallel_loop3A_385 = vector.broadcast %parallel_loop3A_383 : i32 to vector<16xi32>
        %parallel_loop3A_386 = vector.broadcast %parallel_loop3A_384 : i32 to vector<16xi32>
        %parallel_loop3A_387 = arith.select %parallel_loop3A_366, %parallel_loop3A_385, %parallel_loop3A_386 : vector<16xi1>, vector<16xi32>
        %parallel_loop3A_388 = arith.addi %parallel_loop3A_348, %parallel_loop3A_387 : vector<16xi32>
        scf.yield %parallel_loop3A_382, %parallel_loop3A_388 : vector<16xi32>, vector<16xi32>
      } {sc.loop_unroll_factor = 4 : i64, sc.parallel_access}
      %reduce_max3A = arith.constant true
      %reduce_max3A_251 = vector.broadcast %reduce_max3A : i1 to vector<16xi1>
      %reduce_max3A_252 = arith.constant -2147483648 : i32
      %reduce_max3A_253 = vector.broadcast %reduce_max3A_252 : i32 to vector<16xi32>
      %reduce_max3A_254 = arith.xori %parallel_loop3A_250#0, %reduce_max3A_253 : vector<16xi32>
      %reduce_max3A_255 = tpu.scan <max>, %reduce_max3A_254 masked %reduce_max3A_251 : vector<16xi32>, vector<16xi1> -> vector<16xi32>
      %reduce_max3A_256 = arith.xori %reduce_max3A_255, %reduce_max3A_253 : vector<16xi32>
      %reduce_max3A_257 = vector.extract %reduce_max3A_256[15] : i32 from vector<16xi32>
      %shift_right_arithmetic3A_258 = arith.constant 4 : i32
      %shift_right_arithmetic3A_259 = arith.shrsi %reduce_max3A_257, %shift_right_arithmetic3A_258 : i32
      %reduce_max3A_260 = arith.constant true
      %reduce_max3A_261 = vector.broadcast %reduce_max3A_260 : i1 to vector<16xi1>
      %reduce_max3A_262 = arith.constant -2147483648 : i32
      %reduce_max3A_263 = vector.broadcast %reduce_max3A_262 : i32 to vector<16xi32>
      %reduce_max3A_264 = arith.xori %parallel_loop3A_250#1, %reduce_max3A_263 : vector<16xi32>
      %reduce_max3A_265 = tpu.scan <max>, %reduce_max3A_264 masked %reduce_max3A_261 : vector<16xi32>, vector<16xi1> -> vector<16xi32>
      %reduce_max3A_266 = arith.xori %reduce_max3A_265, %reduce_max3A_263 : vector<16xi32>
      %reduce_max3A_267 = vector.extract %reduce_max3A_266[15] : i32 from vector<16xi32>
      %sub3A = arith.constant 256 : i32
      %sub3A_268 = arith.subi %reduce_max3A_267, %sub3A : i32
      %shift_right_arithmetic3A_269 = arith.constant 4 : i32
      %shift_right_arithmetic3A_270 = arith.shrsi %sub3A_268, %shift_right_arithmetic3A_269 : i32
      %max3A = arith.maxsi %shift_right_arithmetic3A_259, %shift_right_arithmetic3A_270 : i32
      %broadcast_in_dim3A_271 = arith.constant 0 : i32
      %broadcast_in_dim3A_272 = vector.broadcast %broadcast_in_dim3A_271 : i32 to vector<16xi32>
      %broadcast_in_dim3A_273 = arith.constant -2147483648 : i32
      %broadcast_in_dim3A_274 = vector.broadcast %broadcast_in_dim3A_273 : i32 to vector<16xi32>
      %scan3A_275 = arith.constant 0 : i32
      %scan3A_276 = arith.constant 32 : i32
      %scan3A_277 = arith.addi %scan3A_275, %scan3A_276 : i32
      %scan3A_278 = arith.constant 1 : i32
      %scan3A_279:2 = scf.for %scan3A_346 = %scan3A_275 to %scan3A_277 step %scan3A_278 iter_args(%scan3A_347 = %broadcast_in_dim3A_272, %scan3A_348 = %broadcast_in_dim3A_274) -> (vector<16xi32>, vector<16xi32>)  : i32 {
        %or3A_349 = arith.ori %scan3A_347, %scan3A_348 : vector<16xi32>
        %broadcast_in_dim3A_350 = arith.constant 0 : i32
        %broadcast_in_dim3A_351 = vector.broadcast %broadcast_in_dim3A_350 : i32 to vector<16xi32>
        %get3A = arith.constant 0 : index
        %get3A_352 = tpu.vector_load %arg5[%get3A] {strides = array<i32>} : memref<512xf32, #tpu.memory_space<vmem>>, vector<16xf32>,
        %bitcast_convert_type3A_353 = tpu.bitcast %get3A_352 : vector<16xf32> -> vector<16xi32>
        %shift_right_arithmetic3A_354 = arith.constant 31 : i32
        %shift_right_arithmetic3A_355 = vector.broadcast %shift_right_arithmetic3A_354 : i32 to vector<16xi32>
        %shift_right_arithmetic3A_356 = arith.shrsi %bitcast_convert_type3A_353, %shift_right_arithmetic3A_355 : vector<16xi32>
        %or3A_357 = arith.constant -2147483648 : i32
        %or3A_358 = vector.broadcast %or3A_357 : i32 to vector<16xi32>
        %or3A_359 = arith.ori %shift_right_arithmetic3A_356, %or3A_358 : vector<16xi32>
        %xor3A_360 = arith.xori %bitcast_convert_type3A_353, %or3A_359 : vector<16xi32>
        %bitcast_convert_type3A_361 = tpu.bitcast %xor3A_360 : vector<16xi32> -> vector<16xi32>
        %get3A_362 = arith.constant 256 : index
        %get3A_363 = tpu.vector_load %arg5[%get3A_362] {strides = array<i32>} : memref<512xf32, #tpu.memory_space<vmem>>, vector<16xf32>,
        %bitcast_convert_type3A_364 = tpu.bitcast %get3A_363 : vector<16xf32> -> vector<16xi32>
        %shift_right_arithmetic3A_365 = arith.constant 31 : i32
        %shift_right_arithmetic3A_366 = vector.broadcast %shift_right_arithmetic3A_365 : i32 to vector<16xi32>
        %shift_right_arithmetic3A_367 = arith.shrsi %bitcast_convert_type3A_364, %shift_right_arithmetic3A_366 : vector<16xi32>
        %or3A_368 = arith.constant -2147483648 : i32
        %or3A_369 = vector.broadcast %or3A_368 : i32 to vector<16xi32>
        %or3A_370 = arith.ori %shift_right_arithmetic3A_367, %or3A_369 : vector<16xi32>
        %xor3A_371 = arith.xori %bitcast_convert_type3A_364, %or3A_370 : vector<16xi32>
        %bitcast_convert_type3A_372 = tpu.bitcast %xor3A_371 : vector<16xi32> -> vector<16xi32>
        %ge3A_373 = arith.cmpi uge, %bitcast_convert_type3A_361, %or3A_349 : vector<16xi32>
        %all_reduce_population_count3A = tpu.all_reduce %ge3A_373 {dim = 0 : i64, kind = #tpu.reduction_kind<sum>} : vector<16xi1> -> vector<16xi32>
        %add3A_374 = arith.addi %broadcast_in_dim3A_351, %all_reduce_population_count3A : vector<16xi32>
        %ge3A_375 = arith.cmpi uge, %bitcast_convert_type3A_372, %or3A_349 : vector<16xi32>
        %all_reduce_population_count3A_376 = tpu.all_reduce %ge3A_375 {dim = 0 : i64, kind = #tpu.reduction_kind<sum>} : vector<16xi1> -> vector<16xi32>
        %add3A_377 = arith.addi %add3A_374, %all_reduce_population_count3A_376 : vector<16xi32>
        %get3A_378 = arith.constant 16 : index
        %get3A_379 = tpu.vector_load %arg5[%get3A_378] {strides = array<i32>} : memref<512xf32, #tpu.memory_space<vmem>>, vector<16xf32>,
        %bitcast_convert_type3A_380 = tpu.bitcast %get3A_379 : vector<16xf32> -> vector<16xi32>
        %shift_right_arithmetic3A_381 = arith.constant 31 : i32
        %shift_right_arithmetic3A_382 = vector.broadcast %shift_right_arithmetic3A_381 : i32 to vector<16xi32>
        %shift_right_arithmetic3A_383 = arith.shrsi %bitcast_convert_type3A_380, %shift_right_arithmetic3A_382 : vector<16xi32>
        %or3A_384 = arith.constant -2147483648 : i32
        %or3A_385 = vector.broadcast %or3A_384 : i32 to vector<16xi32>
        %or3A_386 = arith.ori %shift_right_arithmetic3A_383, %or3A_385 : vector<16xi32>
        %xor3A_387 = arith.xori %bitcast_convert_type3A_380, %or3A_386 : vector<16xi32>
        %bitcast_convert_type3A_388 = tpu.bitcast %xor3A_387 : vector<16xi32> -> vector<16xi32>
        %get3A_389 = arith.constant 272 : index
        %get3A_390 = tpu.vector_load %arg5[%get3A_389] {strides = array<i32>} : memref<512xf32, #tpu.memory_space<vmem>>, vector<16xf32>,
        %bitcast_convert_type3A_391 = tpu.bitcast %get3A_390 : vector<16xf32> -> vector<16xi32>
        %shift_right_arithmetic3A_392 = arith.constant 31 : i32
        %shift_right_arithmetic3A_393 = vector.broadcast %shift_right_arithmetic3A_392 : i32 to vector<16xi32>
        %shift_right_arithmetic3A_394 = arith.shrsi %bitcast_convert_type3A_391, %shift_right_arithmetic3A_393 : vector<16xi32>
        %or3A_395 = arith.constant -2147483648 : i32
        %or3A_396 = vector.broadcast %or3A_395 : i32 to vector<16xi32>
        %or3A_397 = arith.ori %shift_right_arithmetic3A_394, %or3A_396 : vector<16xi32>
        %xor3A_398 = arith.xori %bitcast_convert_type3A_391, %or3A_397 : vector<16xi32>
        %bitcast_convert_type3A_399 = tpu.bitcast %xor3A_398 : vector<16xi32> -> vector<16xi32>
        %ge3A_400 = arith.cmpi uge, %bitcast_convert_type3A_388, %or3A_349 : vector<16xi32>
        %all_reduce_population_count3A_401 = tpu.all_reduce %ge3A_400 {dim = 0 : i64, kind = #tpu.reduction_kind<sum>} : vector<16xi1> -> vector<16xi32>
        %add3A_402 = arith.addi %add3A_377, %all_reduce_population_count3A_401 : vector<16xi32>
        %ge3A_403 = arith.cmpi uge, %bitcast_convert_type3A_399, %or3A_349 : vector<16xi32>
        %all_reduce_population_count3A_404 = tpu.all_reduce %ge3A_403 {dim = 0 : i64, kind = #tpu.reduction_kind<sum>} : vector<16xi1> -> vector<16xi32>
        %add3A_405 = arith.addi %add3A_402, %all_reduce_population_count3A_404 : vector<16xi32>
        %get3A_406 = arith.constant 32 : index
        %get3A_407 = tpu.vector_load %arg5[%get3A_406] {strides = array<i32>} : memref<512xf32, #tpu.memory_space<vmem>>, vector<16xf32>,
        %bitcast_convert_type3A_408 = tpu.bitcast %get3A_407 : vector<16xf32> -> vector<16xi32>
        %shift_right_arithmetic3A_409 = arith.constant 31 : i32
        %shift_right_arithmetic3A_410 = vector.broadcast %shift_right_arithmetic3A_409 : i32 to vector<16xi32>
        %shift_right_arithmetic3A_411 = arith.shrsi %bitcast_convert_type3A_408, %shift_right_arithmetic3A_410 : vector<16xi32>
        %or3A_412 = arith.constant -2147483648 : i32
        %or3A_413 = vector.broadcast %or3A_412 : i32 to vector<16xi32>
        %or3A_414 = arith.ori %shift_right_arithmetic3A_411, %or3A_413 : vector<16xi32>
        %xor3A_415 = arith.xori %bitcast_convert_type3A_408, %or3A_414 : vector<16xi32>
        %bitcast_convert_type3A_416 = tpu.bitcast %xor3A_415 : vector<16xi32> -> vector<16xi32>
        %get3A_417 = arith.constant 288 : index
        %get3A_418 = tpu.vector_load %arg5[%get3A_417] {strides = array<i32>} : memref<512xf32, #tpu.memory_space<vmem>>, vector<16xf32>,
        %bitcast_convert_type3A_419 = tpu.bitcast %get3A_418 : vector<16xf32> -> vector<16xi32>
        %shift_right_arithmetic3A_420 = arith.constant 31 : i32
        %shift_right_arithmetic3A_421 = vector.broadcast %shift_right_arithmetic3A_420 : i32 to vector<16xi32>
        %shift_right_arithmetic3A_422 = arith.shrsi %bitcast_convert_type3A_419, %shift_right_arithmetic3A_421 : vector<16xi32>
        %or3A_423 = arith.constant -2147483648 : i32
        %or3A_424 = vector.broadcast %or3A_423 : i32 to vector<16xi32>
        %or3A_425 = arith.ori %shift_right_arithmetic3A_422, %or3A_424 : vector<16xi32>
        %xor3A_426 = arith.xori %bitcast_convert_type3A_419, %or3A_425 : vector<16xi32>
        %bitcast_convert_type3A_427 = tpu.bitcast %xor3A_426 : vector<16xi32> -> vector<16xi32>
        %ge3A_428 = arith.cmpi uge, %bitcast_convert_type3A_416, %or3A_349 : vector<16xi32>
        %all_reduce_population_count3A_429 = tpu.all_reduce %ge3A_428 {dim = 0 : i64, kind = #tpu.reduction_kind<sum>} : vector<16xi1> -> vector<16xi32>
        %add3A_430 = arith.addi %add3A_405, %all_reduce_population_count3A_429 : vector<16xi32>
        %ge3A_431 = arith.cmpi uge, %bitcast_convert_type3A_427, %or3A_349 : vector<16xi32>
        %all_reduce_population_count3A_432 = tpu.all_reduce %ge3A_431 {dim = 0 : i64, kind = #tpu.reduction_kind<sum>} : vector<16xi1> -> vector<16xi32>
        %add3A_433 = arith.addi %add3A_430, %all_reduce_population_count3A_432 : vector<16xi32>
        %get3A_434 = arith.constant 48 : index
        %get3A_435 = tpu.vector_load %arg5[%get3A_434] {strides = array<i32>} : memref<512xf32, #tpu.memory_space<vmem>>, vector<16xf32>,
        %bitcast_convert_type3A_436 = tpu.bitcast %get3A_435 : vector<16xf32> -> vector<16xi32>
        %shift_right_arithmetic3A_437 = arith.constant 31 : i32
        %shift_right_arithmetic3A_438 = vector.broadcast %shift_right_arithmetic3A_437 : i32 to vector<16xi32>
        %shift_right_arithmetic3A_439 = arith.shrsi %bitcast_convert_type3A_436, %shift_right_arithmetic3A_438 : vector<16xi32>
        %or3A_440 = arith.constant -2147483648 : i32
        %or3A_441 = vector.broadcast %or3A_440 : i32 to vector<16xi32>
        %or3A_442 = arith.ori %shift_right_arithmetic3A_439, %or3A_441 : vector<16xi32>
        %xor3A_443 = arith.xori %bitcast_convert_type3A_436, %or3A_442 : vector<16xi32>
        %bitcast_convert_type3A_444 = tpu.bitcast %xor3A_443 : vector<16xi32> -> vector<16xi32>
        %get3A_445 = arith.constant 304 : index
        %get3A_446 = tpu.vector_load %arg5[%get3A_445] {strides = array<i32>} : memref<512xf32, #tpu.memory_space<vmem>>, vector<16xf32>,
        %bitcast_convert_type3A_447 = tpu.bitcast %get3A_446 : vector<16xf32> -> vector<16xi32>
        %shift_right_arithmetic3A_448 = arith.constant 31 : i32
        %shift_right_arithmetic3A_449 = vector.broadcast %shift_right_arithmetic3A_448 : i32 to vector<16xi32>
        %shift_right_arithmetic3A_450 = arith.shrsi %bitcast_convert_type3A_447, %shift_right_arithmetic3A_449 : vector<16xi32>
        %or3A_451 = arith.constant -2147483648 : i32
        %or3A_452 = vector.broadcast %or3A_451 : i32 to vector<16xi32>
        %or3A_453 = arith.ori %shift_right_arithmetic3A_450, %or3A_452 : vector<16xi32>
        %xor3A_454 = arith.xori %bitcast_convert_type3A_447, %or3A_453 : vector<16xi32>
        %bitcast_convert_type3A_455 = tpu.bitcast %xor3A_454 : vector<16xi32> -> vector<16xi32>
        %ge3A_456 = arith.cmpi uge, %bitcast_convert_type3A_444, %or3A_349 : vector<16xi32>
        %all_reduce_population_count3A_457 = tpu.all_reduce %ge3A_456 {dim = 0 : i64, kind = #tpu.reduction_kind<sum>} : vector<16xi1> -> vector<16xi32>
        %add3A_458 = arith.addi %add3A_433, %all_reduce_population_count3A_457 : vector<16xi32>
        %ge3A_459 = arith.cmpi uge, %bitcast_convert_type3A_455, %or3A_349 : vector<16xi32>
        %all_reduce_population_count3A_460 = tpu.all_reduce %ge3A_459 {dim = 0 : i64, kind = #tpu.reduction_kind<sum>} : vector<16xi1> -> vector<16xi32>
        %add3A_461 = arith.addi %add3A_458, %all_reduce_population_count3A_460 : vector<16xi32>
        %get3A_462 = arith.constant 64 : index
        %get3A_463 = tpu.vector_load %arg5[%get3A_462] {strides = array<i32>} : memref<512xf32, #tpu.memory_space<vmem>>, vector<16xf32>,
        %bitcast_convert_type3A_464 = tpu.bitcast %get3A_463 : vector<16xf32> -> vector<16xi32>
        %shift_right_arithmetic3A_465 = arith.constant 31 : i32
        %shift_right_arithmetic3A_466 = vector.broadcast %shift_right_arithmetic3A_465 : i32 to vector<16xi32>
        %shift_right_arithmetic3A_467 = arith.shrsi %bitcast_convert_type3A_464, %shift_right_arithmetic3A_466 : vector<16xi32>
        %or3A_468 = arith.constant -2147483648 : i32
        %or3A_469 = vector.broadcast %or3A_468 : i32 to vector<16xi32>
        %or3A_470 = arith.ori %shift_right_arithmetic3A_467, %or3A_469 : vector<16xi32>
        %xor3A_471 = arith.xori %bitcast_convert_type3A_464, %or3A_470 : vector<16xi32>
        %bitcast_convert_type3A_472 = tpu.bitcast %xor3A_471 : vector<16xi32> -> vector<16xi32>
        %get3A_473 = arith.constant 320 : index
        %get3A_474 = tpu.vector_load %arg5[%get3A_473] {strides = array<i32>} : memref<512xf32, #tpu.memory_space<vmem>>, vector<16xf32>,
        %bitcast_convert_type3A_475 = tpu.bitcast %get3A_474 : vector<16xf32> -> vector<16xi32>
        %shift_right_arithmetic3A_476 = arith.constant 31 : i32
        %shift_right_arithmetic3A_477 = vector.broadcast %shift_right_arithmetic3A_476 : i32 to vector<16xi32>
        %shift_right_arithmetic3A_478 = arith.shrsi %bitcast_convert_type3A_475, %shift_right_arithmetic3A_477 : vector<16xi32>
        %or3A_479 = arith.constant -2147483648 : i32
        %or3A_480 = vector.broadcast %or3A_479 : i32 to vector<16xi32>
        %or3A_481 = arith.ori %shift_right_arithmetic3A_478, %or3A_480 : vector<16xi32>
        %xor3A_482 = arith.xori %bitcast_convert_type3A_475, %or3A_481 : vector<16xi32>
        %bitcast_convert_type3A_483 = tpu.bitcast %xor3A_482 : vector<16xi32> -> vector<16xi32>
        %ge3A_484 = arith.cmpi uge, %bitcast_convert_type3A_472, %or3A_349 : vector<16xi32>
        %all_reduce_population_count3A_485 = tpu.all_reduce %ge3A_484 {dim = 0 : i64, kind = #tpu.reduction_kind<sum>} : vector<16xi1> -> vector<16xi32>
        %add3A_486 = arith.addi %add3A_461, %all_reduce_population_count3A_485 : vector<16xi32>
        %ge3A_487 = arith.cmpi uge, %bitcast_convert_type3A_483, %or3A_349 : vector<16xi32>
        %all_reduce_population_count3A_488 = tpu.all_reduce %ge3A_487 {dim = 0 : i64, kind = #tpu.reduction_kind<sum>} : vector<16xi1> -> vector<16xi32>
        %add3A_489 = arith.addi %add3A_486, %all_reduce_population_count3A_488 : vector<16xi32>
        %get3A_490 = arith.constant 80 : index
        %get3A_491 = tpu.vector_load %arg5[%get3A_490] {strides = array<i32>} : memref<512xf32, #tpu.memory_space<vmem>>, vector<16xf32>,
        %bitcast_convert_type3A_492 = tpu.bitcast %get3A_491 : vector<16xf32> -> vector<16xi32>
        %shift_right_arithmetic3A_493 = arith.constant 31 : i32
        %shift_right_arithmetic3A_494 = vector.broadcast %shift_right_arithmetic3A_493 : i32 to vector<16xi32>
        %shift_right_arithmetic3A_495 = arith.shrsi %bitcast_convert_type3A_492, %shift_right_arithmetic3A_494 : vector<16xi32>
        %or3A_496 = arith.constant -2147483648 : i32
        %or3A_497 = vector.broadcast %or3A_496 : i32 to vector<16xi32>
        %or3A_498 = arith.ori %shift_right_arithmetic3A_495, %or3A_497 : vector<16xi32>
        %xor3A_499 = arith.xori %bitcast_convert_type3A_492, %or3A_498 : vector<16xi32>
        %bitcast_convert_type3A_500 = tpu.bitcast %xor3A_499 : vector<16xi32> -> vector<16xi32>
        %get3A_501 = arith.constant 336 : index
        %get3A_502 = tpu.vector_load %arg5[%get3A_501] {strides = array<i32>} : memref<512xf32, #tpu.memory_space<vmem>>, vector<16xf32>,
        %bitcast_convert_type3A_503 = tpu.bitcast %get3A_502 : vector<16xf32> -> vector<16xi32>
        %shift_right_arithmetic3A_504 = arith.constant 31 : i32
        %shift_right_arithmetic3A_505 = vector.broadcast %shift_right_arithmetic3A_504 : i32 to vector<16xi32>
        %shift_right_arithmetic3A_506 = arith.shrsi %bitcast_convert_type3A_503, %shift_right_arithmetic3A_505 : vector<16xi32>
        %or3A_507 = arith.constant -2147483648 : i32
        %or3A_508 = vector.broadcast %or3A_507 : i32 to vector<16xi32>
        %or3A_509 = arith.ori %shift_right_arithmetic3A_506, %or3A_508 : vector<16xi32>
        %xor3A_510 = arith.xori %bitcast_convert_type3A_503, %or3A_509 : vector<16xi32>
        %bitcast_convert_type3A_511 = tpu.bitcast %xor3A_510 : vector<16xi32> -> vector<16xi32>
        %ge3A_512 = arith.cmpi uge, %bitcast_convert_type3A_500, %or3A_349 : vector<16xi32>
        %all_reduce_population_count3A_513 = tpu.all_reduce %ge3A_512 {dim = 0 : i64, kind = #tpu.reduction_kind<sum>} : vector<16xi1> -> vector<16xi32>
        %add3A_514 = arith.addi %add3A_489, %all_reduce_population_count3A_513 : vector<16xi32>
        %ge3A_515 = arith.cmpi uge, %bitcast_convert_type3A_511, %or3A_349 : vector<16xi32>
        %all_reduce_population_count3A_516 = tpu.all_reduce %ge3A_515 {dim = 0 : i64, kind = #tpu.reduction_kind<sum>} : vector<16xi1> -> vector<16xi32>
        %add3A_517 = arith.addi %add3A_514, %all_reduce_population_count3A_516 : vector<16xi32>
        %get3A_518 = arith.constant 96 : index
        %get3A_519 = tpu.vector_load %arg5[%get3A_518] {strides = array<i32>} : memref<512xf32, #tpu.memory_space<vmem>>, vector<16xf32>,
        %bitcast_convert_type3A_520 = tpu.bitcast %get3A_519 : vector<16xf32> -> vector<16xi32>
        %shift_right_arithmetic3A_521 = arith.constant 31 : i32
        %shift_right_arithmetic3A_522 = vector.broadcast %shift_right_arithmetic3A_521 : i32 to vector<16xi32>
        %shift_right_arithmetic3A_523 = arith.shrsi %bitcast_convert_type3A_520, %shift_right_arithmetic3A_522 : vector<16xi32>
        %or3A_524 = arith.constant -2147483648 : i32
        %or3A_525 = vector.broadcast %or3A_524 : i32 to vector<16xi32>
        %or3A_526 = arith.ori %shift_right_arithmetic3A_523, %or3A_525 : vector<16xi32>
        %xor3A_527 = arith.xori %bitcast_convert_type3A_520, %or3A_526 : vector<16xi32>
        %bitcast_convert_type3A_528 = tpu.bitcast %xor3A_527 : vector<16xi32> -> vector<16xi32>
        %get3A_529 = arith.constant 352 : index
        %get3A_530 = tpu.vector_load %arg5[%get3A_529] {strides = array<i32>} : memref<512xf32, #tpu.memory_space<vmem>>, vector<16xf32>,
        %bitcast_convert_type3A_531 = tpu.bitcast %get3A_530 : vector<16xf32> -> vector<16xi32>
        %shift_right_arithmetic3A_532 = arith.constant 31 : i32
        %shift_right_arithmetic3A_533 = vector.broadcast %shift_right_arithmetic3A_532 : i32 to vector<16xi32>
        %shift_right_arithmetic3A_534 = arith.shrsi %bitcast_convert_type3A_531, %shift_right_arithmetic3A_533 : vector<16xi32>
        %or3A_535 = arith.constant -2147483648 : i32
        %or3A_536 = vector.broadcast %or3A_535 : i32 to vector<16xi32>
        %or3A_537 = arith.ori %shift_right_arithmetic3A_534, %or3A_536 : vector<16xi32>
        %xor3A_538 = arith.xori %bitcast_convert_type3A_531, %or3A_537 : vector<16xi32>
        %bitcast_convert_type3A_539 = tpu.bitcast %xor3A_538 : vector<16xi32> -> vector<16xi32>
        %ge3A_540 = arith.cmpi uge, %bitcast_convert_type3A_528, %or3A_349 : vector<16xi32>
        %all_reduce_population_count3A_541 = tpu.all_reduce %ge3A_540 {dim = 0 : i64, kind = #tpu.reduction_kind<sum>} : vector<16xi1> -> vector<16xi32>
        %add3A_542 = arith.addi %add3A_517, %all_reduce_population_count3A_541 : vector<16xi32>
        %ge3A_543 = arith.cmpi uge, %bitcast_convert_type3A_539, %or3A_349 : vector<16xi32>
        %all_reduce_population_count3A_544 = tpu.all_reduce %ge3A_543 {dim = 0 : i64, kind = #tpu.reduction_kind<sum>} : vector<16xi1> -> vector<16xi32>
        %add3A_545 = arith.addi %add3A_542, %all_reduce_population_count3A_544 : vector<16xi32>
        %get3A_546 = arith.constant 112 : index
        %get3A_547 = tpu.vector_load %arg5[%get3A_546] {strides = array<i32>} : memref<512xf32, #tpu.memory_space<vmem>>, vector<16xf32>,
        %bitcast_convert_type3A_548 = tpu.bitcast %get3A_547 : vector<16xf32> -> vector<16xi32>
        %shift_right_arithmetic3A_549 = arith.constant 31 : i32
        %shift_right_arithmetic3A_550 = vector.broadcast %shift_right_arithmetic3A_549 : i32 to vector<16xi32>
        %shift_right_arithmetic3A_551 = arith.shrsi %bitcast_convert_type3A_548, %shift_right_arithmetic3A_550 : vector<16xi32>
        %or3A_552 = arith.constant -2147483648 : i32
        %or3A_553 = vector.broadcast %or3A_552 : i32 to vector<16xi32>
        %or3A_554 = arith.ori %shift_right_arithmetic3A_551, %or3A_553 : vector<16xi32>
        %xor3A_555 = arith.xori %bitcast_convert_type3A_548, %or3A_554 : vector<16xi32>
        %bitcast_convert_type3A_556 = tpu.bitcast %xor3A_555 : vector<16xi32> -> vector<16xi32>
        %get3A_557 = arith.constant 368 : index
        %get3A_558 = tpu.vector_load %arg5[%get3A_557] {strides = array<i32>} : memref<512xf32, #tpu.memory_space<vmem>>, vector<16xf32>,
        %bitcast_convert_type3A_559 = tpu.bitcast %get3A_558 : vector<16xf32> -> vector<16xi32>
        %shift_right_arithmetic3A_560 = arith.constant 31 : i32
        %shift_right_arithmetic3A_561 = vector.broadcast %shift_right_arithmetic3A_560 : i32 to vector<16xi32>
        %shift_right_arithmetic3A_562 = arith.shrsi %bitcast_convert_type3A_559, %shift_right_arithmetic3A_561 : vector<16xi32>
        %or3A_563 = arith.constant -2147483648 : i32
        %or3A_564 = vector.broadcast %or3A_563 : i32 to vector<16xi32>
        %or3A_565 = arith.ori %shift_right_arithmetic3A_562, %or3A_564 : vector<16xi32>
        %xor3A_566 = arith.xori %bitcast_convert_type3A_559, %or3A_565 : vector<16xi32>
        %bitcast_convert_type3A_567 = tpu.bitcast %xor3A_566 : vector<16xi32> -> vector<16xi32>
        %ge3A_568 = arith.cmpi uge, %bitcast_convert_type3A_556, %or3A_349 : vector<16xi32>
        %all_reduce_population_count3A_569 = tpu.all_reduce %ge3A_568 {dim = 0 : i64, kind = #tpu.reduction_kind<sum>} : vector<16xi1> -> vector<16xi32>
        %add3A_570 = arith.addi %add3A_545, %all_reduce_population_count3A_569 : vector<16xi32>
        %ge3A_571 = arith.cmpi uge, %bitcast_convert_type3A_567, %or3A_349 : vector<16xi32>
        %all_reduce_population_count3A_572 = tpu.all_reduce %ge3A_571 {dim = 0 : i64, kind = #tpu.reduction_kind<sum>} : vector<16xi1> -> vector<16xi32>
        %add3A_573 = arith.addi %add3A_570, %all_reduce_population_count3A_572 : vector<16xi32>
        %jit3A_574 = arith.constant 8 : i32
        %jit3A_575 = arith.constant 16 : i32
        %max3A_576 = arith.maxsi %jit3A_574, %max3A : i32
        %min3A = arith.minsi %jit3A_575, %max3A_576 : i32
        %while3A = arith.constant 8 : i32
        %while3A_577 = arith.subi %min3A, %while3A : i32
        %while3A_578 = arith.addi %while3A, %while3A_577 : i32
        %while3A_579 = arith.constant 1 : i32
        %while3A_580 = arith.divsi %while3A_577, %while3A_579 : i32
        %while3A_581 = arith.muli %while3A_580, %while3A_579 : i32
        %while3A_582 = arith.addi %while3A, %while3A_581 : i32
        %while3A_583 = arith.constant 1 : i32
        %while3A_584 = scf.for %while3A_593 = %while3A to %while3A_582 step %while3A_583 iter_args(%while3A_594 = %add3A_573) -> (vector<16xi32>)  : i32 {
          %mul3A_595 = arith.constant 16 : i32
          %mul3A_596 = arith.muli %while3A_593, %mul3A_595 : i32
          %get3A_597 = arith.index_cast %mul3A_596 : i32 to index
          %get3A_598 = tpu.vector_load %arg5[%get3A_597] {strides = array<i32>} : memref<512xf32, #tpu.memory_space<vmem>>, vector<16xf32>,
          %bitcast_convert_type3A_599 = tpu.bitcast %get3A_598 : vector<16xf32> -> vector<16xi32>
          %shift_right_arithmetic3A_600 = arith.constant 31 : i32
          %shift_right_arithmetic3A_601 = vector.broadcast %shift_right_arithmetic3A_600 : i32 to vector<16xi32>
          %shift_right_arithmetic3A_602 = arith.shrsi %bitcast_convert_type3A_599, %shift_right_arithmetic3A_601 : vector<16xi32>
          %or3A_603 = arith.constant -2147483648 : i32
          %or3A_604 = vector.broadcast %or3A_603 : i32 to vector<16xi32>
          %or3A_605 = arith.ori %shift_right_arithmetic3A_602, %or3A_604 : vector<16xi32>
          %xor3A_606 = arith.xori %bitcast_convert_type3A_599, %or3A_605 : vector<16xi32>
          %bitcast_convert_type3A_607 = tpu.bitcast %xor3A_606 : vector<16xi32> -> vector<16xi32>
          %add3A_608 = arith.constant 16 : i32
          %add3A_609 = arith.addi %add3A_608, %while3A_593 : i32
          %mul3A_610 = arith.constant 16 : i32
          %mul3A_611 = arith.muli %add3A_609, %mul3A_610 : i32
          %get3A_612 = arith.index_cast %mul3A_611 : i32 to index
          %get3A_613 = tpu.vector_load %arg5[%get3A_612] {strides = array<i32>} : memref<512xf32, #tpu.memory_space<vmem>>, vector<16xf32>,
          %bitcast_convert_type3A_614 = tpu.bitcast %get3A_613 : vector<16xf32> -> vector<16xi32>
          %shift_right_arithmetic3A_615 = arith.constant 31 : i32
          %shift_right_arithmetic3A_616 = vector.broadcast %shift_right_arithmetic3A_615 : i32 to vector<16xi32>
          %shift_right_arithmetic3A_617 = arith.shrsi %bitcast_convert_type3A_614, %shift_right_arithmetic3A_616 : vector<16xi32>
          %or3A_618 = arith.constant -2147483648 : i32
          %or3A_619 = vector.broadcast %or3A_618 : i32 to vector<16xi32>
          %or3A_620 = arith.ori %shift_right_arithmetic3A_617, %or3A_619 : vector<16xi32>
          %xor3A_621 = arith.xori %bitcast_convert_type3A_614, %or3A_620 : vector<16xi32>
          %bitcast_convert_type3A_622 = tpu.bitcast %xor3A_621 : vector<16xi32> -> vector<16xi32>
          %ge3A_623 = arith.cmpi uge, %bitcast_convert_type3A_607, %or3A_349 : vector<16xi32>
          %all_reduce_population_count3A_624 = tpu.all_reduce %ge3A_623 {dim = 0 : i64, kind = #tpu.reduction_kind<sum>} : vector<16xi1> -> vector<16xi32>
          %add3A_625 = arith.addi %while3A_594, %all_reduce_population_count3A_624 : vector<16xi32>
          %ge3A_626 = arith.cmpi uge, %bitcast_convert_type3A_622, %or3A_349 : vector<16xi32>
          %all_reduce_population_count3A_627 = tpu.all_reduce %ge3A_626 {dim = 0 : i64, kind = #tpu.reduction_kind<sum>} : vector<16xi1> -> vector<16xi32>
          %add3A_628 = arith.addi %add3A_625, %all_reduce_population_count3A_627 : vector<16xi32>
          scf.yield %add3A_628 : vector<16xi32>
        }
        %while3A_585 = arith.constant 1 : i32
        %while3A_586 = scf.for %while3A_593 = %while3A_582 to %while3A_578 step %while3A_585 iter_args(%while3A_594 = %while3A_584) -> (vector<16xi32>)  : i32 {
          %mul3A_595 = arith.constant 16 : i32
          %mul3A_596 = arith.muli %while3A_593, %mul3A_595 : i32
          %get3A_597 = arith.index_cast %mul3A_596 : i32 to index
          %get3A_598 = tpu.vector_load %arg5[%get3A_597] {strides = array<i32>} : memref<512xf32, #tpu.memory_space<vmem>>, vector<16xf32>,
          %bitcast_convert_type3A_599 = tpu.bitcast %get3A_598 : vector<16xf32> -> vector<16xi32>
          %shift_right_arithmetic3A_600 = arith.constant 31 : i32
          %shift_right_arithmetic3A_601 = vector.broadcast %shift_right_arithmetic3A_600 : i32 to vector<16xi32>
          %shift_right_arithmetic3A_602 = arith.shrsi %bitcast_convert_type3A_599, %shift_right_arithmetic3A_601 : vector<16xi32>
          %or3A_603 = arith.constant -2147483648 : i32
          %or3A_604 = vector.broadcast %or3A_603 : i32 to vector<16xi32>
          %or3A_605 = arith.ori %shift_right_arithmetic3A_602, %or3A_604 : vector<16xi32>
          %xor3A_606 = arith.xori %bitcast_convert_type3A_599, %or3A_605 : vector<16xi32>
          %bitcast_convert_type3A_607 = tpu.bitcast %xor3A_606 : vector<16xi32> -> vector<16xi32>
          %add3A_608 = arith.constant 16 : i32
          %add3A_609 = arith.addi %add3A_608, %while3A_593 : i32
          %mul3A_610 = arith.constant 16 : i32
          %mul3A_611 = arith.muli %add3A_609, %mul3A_610 : i32
          %get3A_612 = arith.index_cast %mul3A_611 : i32 to index
          %get3A_613 = tpu.vector_load %arg5[%get3A_612] {strides = array<i32>} : memref<512xf32, #tpu.memory_space<vmem>>, vector<16xf32>,
          %bitcast_convert_type3A_614 = tpu.bitcast %get3A_613 : vector<16xf32> -> vector<16xi32>
          %shift_right_arithmetic3A_615 = arith.constant 31 : i32
          %shift_right_arithmetic3A_616 = vector.broadcast %shift_right_arithmetic3A_615 : i32 to vector<16xi32>
          %shift_right_arithmetic3A_617 = arith.shrsi %bitcast_convert_type3A_614, %shift_right_arithmetic3A_616 : vector<16xi32>
          %or3A_618 = arith.constant -2147483648 : i32
          %or3A_619 = vector.broadcast %or3A_618 : i32 to vector<16xi32>
          %or3A_620 = arith.ori %shift_right_arithmetic3A_617, %or3A_619 : vector<16xi32>
          %xor3A_621 = arith.xori %bitcast_convert_type3A_614, %or3A_620 : vector<16xi32>
          %bitcast_convert_type3A_622 = tpu.bitcast %xor3A_621 : vector<16xi32> -> vector<16xi32>
          %ge3A_623 = arith.cmpi uge, %bitcast_convert_type3A_607, %or3A_349 : vector<16xi32>
          %all_reduce_population_count3A_624 = tpu.all_reduce %ge3A_623 {dim = 0 : i64, kind = #tpu.reduction_kind<sum>} : vector<16xi1> -> vector<16xi32>
          %add3A_625 = arith.addi %while3A_594, %all_reduce_population_count3A_624 : vector<16xi32>
          %ge3A_626 = arith.cmpi uge, %bitcast_convert_type3A_622, %or3A_349 : vector<16xi32>
          %all_reduce_population_count3A_627 = tpu.all_reduce %ge3A_626 {dim = 0 : i64, kind = #tpu.reduction_kind<sum>} : vector<16xi1> -> vector<16xi32>
          %add3A_628 = arith.addi %add3A_625, %all_reduce_population_count3A_627 : vector<16xi32>
          scf.yield %add3A_628 : vector<16xi32>
        }
        %ge3A_587 = arith.constant 64 : i32
        %ge3A_588 = vector.broadcast %ge3A_587 : i32 to vector<16xi32>
        %ge3A_589 = arith.cmpi sge, %while3A_586, %ge3A_588 : vector<16xi32>
        %select_n3A_590 = arith.select %ge3A_589, %or3A_349, %scan3A_347 : vector<16xi1>, vector<16xi32>
        %shift_right_logical3A = arith.constant 1 : i32
        %shift_right_logical3A_591 = vector.broadcast %shift_right_logical3A : i32 to vector<16xi32>
        %shift_right_logical3A_592 = arith.shrui %scan3A_348, %shift_right_logical3A_591 : vector<16xi32>
        scf.yield %select_n3A_590, %shift_right_logical3A_592 : vector<16xi32>, vector<16xi32>
      }
      %scan3A_280 = arith.constant 32 : i32
      %gt3A = arith.constant 16 : i32
      %gt3A_281 = arith.cmpi sgt, %max3A, %gt3A : i32
      %convert_element_type3A = arith.extui %gt3A_281 : i1 to i32
      %cond3A = arith.constant 0 : i32
      %cond3A_282 = arith.constant 0 : i32
      %cond3A_283 = arith.cmpi ne, %convert_element_type3A, %cond3A_282 : i32
      %cond3A_284 = scf.if %cond3A_283 -> (vector<16xi32>) {
        %broadcast_in_dim3A_346 = arith.constant 0 : i32
        %broadcast_in_dim3A_347 = vector.broadcast %broadcast_in_dim3A_346 : i32 to vector<16xi32>
        %broadcast_in_dim3A_348 = arith.constant -2147483648 : i32
        %broadcast_in_dim3A_349 = vector.broadcast %broadcast_in_dim3A_348 : i32 to vector<16xi32>
        %scan3A_350 = arith.constant 0 : i32
        %scan3A_351 = arith.constant 32 : i32
        %scan3A_352 = arith.addi %scan3A_350, %scan3A_351 : i32
        %scan3A_353 = arith.constant 1 : i32
        %scan3A_354:2 = scf.for %scan3A_356 = %scan3A_350 to %scan3A_352 step %scan3A_353 iter_args(%scan3A_357 = %broadcast_in_dim3A_347, %scan3A_358 = %broadcast_in_dim3A_349) -> (vector<16xi32>, vector<16xi32>)  : i32 {
          %or3A_359 = arith.ori %scan3A_357, %scan3A_358 : vector<16xi32>
          %broadcast_in_dim3A_360 = arith.constant 0 : i32
          %broadcast_in_dim3A_361 = vector.broadcast %broadcast_in_dim3A_360 : i32 to vector<16xi32>
          %scan3A_362 = arith.constant 0 : i32
          %scan3A_363 = arith.constant 2048 : i32
          %scan3A_364 = arith.addi %scan3A_362, %scan3A_363 : i32
          %scan3A_365 = arith.constant 1 : i32
          %scan3A_366 = scf.for %scan3A_374 = %scan3A_362 to %scan3A_364 step %scan3A_365 iter_args(%scan3A_375 = %broadcast_in_dim3A_361) -> (vector<16xi32>)  : i32 {
            %mul3A_376 = arith.constant 16 : i32
            %mul3A_377 = arith.muli %scan3A_374, %mul3A_376 : i32
            %get3A = tpu.memref_slice %arg4[%mul3A_85] : memref<98304xf32, #tpu.memory_space<vmem>> -> memref<32768xf32, #tpu.memory_space<vmem>>
            %get3A_378 = arith.index_cast %mul3A_377 : i32 to index
            %get3A_379 = tpu.vector_load %get3A[%get3A_378] {strides = array<i32>} : memref<32768xf32, #tpu.memory_space<vmem>>, vector<16xf32>,
            %bitcast_convert_type3A_380 = tpu.bitcast %get3A_379 : vector<16xf32> -> vector<16xi32>
            %shift_right_arithmetic3A_381 = arith.constant 31 : i32
            %shift_right_arithmetic3A_382 = vector.broadcast %shift_right_arithmetic3A_381 : i32 to vector<16xi32>
            %shift_right_arithmetic3A_383 = arith.shrsi %bitcast_convert_type3A_380, %shift_right_arithmetic3A_382 : vector<16xi32>
            %or3A_384 = arith.constant -2147483648 : i32
            %or3A_385 = vector.broadcast %or3A_384 : i32 to vector<16xi32>
            %or3A_386 = arith.ori %shift_right_arithmetic3A_383, %or3A_385 : vector<16xi32>
            %xor3A_387 = arith.xori %bitcast_convert_type3A_380, %or3A_386 : vector<16xi32>
            %bitcast_convert_type3A_388 = tpu.bitcast %xor3A_387 : vector<16xi32> -> vector<16xi32>
            %ge3A_389 = arith.cmpi uge, %bitcast_convert_type3A_388, %or3A_359 : vector<16xi32>
            %all_reduce_population_count3A = tpu.all_reduce %ge3A_389 {dim = 0 : i64, kind = #tpu.reduction_kind<sum>} : vector<16xi1> -> vector<16xi32>
            %add3A_390 = arith.addi %scan3A_375, %all_reduce_population_count3A : vector<16xi32>
            scf.yield %add3A_390 : vector<16xi32>
          }
          %scan3A_367 = arith.constant 2048 : i32
          %ge3A_368 = arith.constant 64 : i32
          %ge3A_369 = vector.broadcast %ge3A_368 : i32 to vector<16xi32>
          %ge3A_370 = arith.cmpi sge, %scan3A_366, %ge3A_369 : vector<16xi32>
          %select_n3A_371 = arith.select %ge3A_370, %or3A_359, %scan3A_357 : vector<16xi1>, vector<16xi32>
          %shift_right_logical3A = arith.constant 1 : i32
          %shift_right_logical3A_372 = vector.broadcast %shift_right_logical3A : i32 to vector<16xi32>
          %shift_right_logical3A_373 = arith.shrui %scan3A_358, %shift_right_logical3A_372 : vector<16xi32>
          scf.yield %select_n3A_371, %shift_right_logical3A_373 : vector<16xi32>, vector<16xi32>
        }
        %scan3A_355 = arith.constant 32 : i32
        scf.yield %scan3A_354#0 : vector<16xi32>
      } else {
        scf.yield %scan3A_279#0 : vector<16xi32>
      }
      %bitcast_convert_type3A_285 = tpu.bitcast %cond3A_284 : vector<16xi32> -> vector<16xi32>
      %shift_right_arithmetic3A_286 = arith.constant 31 : i32
      %shift_right_arithmetic3A_287 = vector.broadcast %shift_right_arithmetic3A_286 : i32 to vector<16xi32>
      %shift_right_arithmetic3A_288 = arith.shrsi %bitcast_convert_type3A_285, %shift_right_arithmetic3A_287 : vector<16xi32>
      %not3A_289 = arith.constant dense<-1> : vector<16xi32>
      %not3A_290 = arith.xori %shift_right_arithmetic3A_288, %not3A_289 : vector<16xi32>
      %or3A_291 = arith.constant -2147483648 : i32
      %or3A_292 = vector.broadcast %or3A_291 : i32 to vector<16xi32>
      %or3A_293 = arith.ori %not3A_290, %or3A_292 : vector<16xi32>
      %xor3A_294 = arith.xori %bitcast_convert_type3A_285, %or3A_293 : vector<16xi32>
      %bitcast_convert_type3A_295 = tpu.bitcast %xor3A_294 : vector<16xi32> -> vector<16xf32>
      %parallel_loop3A_296 = arith.constant 0 : i32
      %parallel_loop3A_297 = arith.constant 512 : i32
      %parallel_loop3A_298 = arith.constant 1 : i32
      scf.for %parallel_loop3A_346 = %parallel_loop3A_296 to %parallel_loop3A_297 step %parallel_loop3A_298  : i32 {
        %parallel_loop3A_347 = arith.constant 4 : i32
        %parallel_loop3A_348 = arith.muli %parallel_loop3A_346, %parallel_loop3A_347 : i32
        %parallel_loop3A_349 = arith.constant 0 : i32
        %parallel_loop3A_350 = arith.addi %parallel_loop3A_348, %parallel_loop3A_349 : i32
        %parallel_loop3A_351 = arith.constant 16 : i32
        %parallel_loop3A_352 = arith.muli %parallel_loop3A_350, %parallel_loop3A_351 : i32
        %parallel_loop3A_353 = tpu.memref_slice %arg4[%mul3A_85] : memref<98304xf32, #tpu.memory_space<vmem>> -> memref<32768xf32, #tpu.memory_space<vmem>>
        %parallel_loop3A_354 = arith.index_cast %parallel_loop3A_352 : i32 to index
        %parallel_loop3A_355 = tpu.vector_load %parallel_loop3A_353[%parallel_loop3A_354] {strides = array<i32>} : memref<32768xf32, #tpu.memory_space<vmem>>, vector<16xf32>,
        %parallel_loop3A_356 = arith.cmpf oge, %parallel_loop3A_355, %bitcast_convert_type3A_295 : vector<16xf32>
        %parallel_loop3A_357 = arith.constant 1.000000e+00 : f32
        %parallel_loop3A_358 = arith.constant 0.000000e+00 : f32
        %parallel_loop3A_359 = vector.broadcast %parallel_loop3A_357 : f32 to vector<16xf32>
        %parallel_loop3A_360 = vector.broadcast %parallel_loop3A_358 : f32 to vector<16xf32>
        %parallel_loop3A_361 = arith.select %parallel_loop3A_356, %parallel_loop3A_359, %parallel_loop3A_360 : vector<16xi1>, vector<16xf32>
        %parallel_loop3A_362 = arith.constant 4 : i32
        %parallel_loop3A_363 = arith.muli %parallel_loop3A_346, %parallel_loop3A_362 : i32
        %parallel_loop3A_364 = arith.constant 0 : i32
        %parallel_loop3A_365 = arith.addi %parallel_loop3A_363, %parallel_loop3A_364 : i32
        %parallel_loop3A_366 = arith.constant 16 : i32
        %parallel_loop3A_367 = arith.muli %parallel_loop3A_365, %parallel_loop3A_366 : i32
        %parallel_loop3A_368 = tpu.memref_slice %arg4[%mul3A_85] : memref<98304xf32, #tpu.memory_space<vmem>> -> memref<32768xf32, #tpu.memory_space<vmem>>
        %parallel_loop3A_369 = arith.index_cast %parallel_loop3A_367 : i32 to index
        %parallel_loop3A_370 = tpu.vector_load %parallel_loop3A_368[%parallel_loop3A_369] {strides = array<i32>} : memref<32768xf32, #tpu.memory_space<vmem>>, vector<16xf32>,
        tpu.vector_store %parallel_loop3A_368[%parallel_loop3A_369], %parallel_loop3A_361 {strides = array<i32>} : memref<32768xf32, #tpu.memory_space<vmem>>, vector<16xf32>,
        %parallel_loop3A_371 = arith.constant 4 : i32
        %parallel_loop3A_372 = arith.muli %parallel_loop3A_346, %parallel_loop3A_371 : i32
        %parallel_loop3A_373 = arith.constant 1 : i32
        %parallel_loop3A_374 = arith.addi %parallel_loop3A_372, %parallel_loop3A_373 : i32
        %parallel_loop3A_375 = arith.constant 16 : i32
        %parallel_loop3A_376 = arith.muli %parallel_loop3A_374, %parallel_loop3A_375 : i32
        %parallel_loop3A_377 = tpu.memref_slice %arg4[%mul3A_85] : memref<98304xf32, #tpu.memory_space<vmem>> -> memref<32768xf32, #tpu.memory_space<vmem>>
        %parallel_loop3A_378 = arith.index_cast %parallel_loop3A_376 : i32 to index
        %parallel_loop3A_379 = tpu.vector_load %parallel_loop3A_377[%parallel_loop3A_378] {strides = array<i32>} : memref<32768xf32, #tpu.memory_space<vmem>>, vector<16xf32>,
        %parallel_loop3A_380 = arith.cmpf oge, %parallel_loop3A_379, %bitcast_convert_type3A_295 : vector<16xf32>
        %parallel_loop3A_381 = arith.constant 1.000000e+00 : f32
        %parallel_loop3A_382 = arith.constant 0.000000e+00 : f32
        %parallel_loop3A_383 = vector.broadcast %parallel_loop3A_381 : f32 to vector<16xf32>
        %parallel_loop3A_384 = vector.broadcast %parallel_loop3A_382 : f32 to vector<16xf32>
        %parallel_loop3A_385 = arith.select %parallel_loop3A_380, %parallel_loop3A_383, %parallel_loop3A_384 : vector<16xi1>, vector<16xf32>
        %parallel_loop3A_386 = arith.constant 4 : i32
        %parallel_loop3A_387 = arith.muli %parallel_loop3A_346, %parallel_loop3A_386 : i32
        %parallel_loop3A_388 = arith.constant 1 : i32
        %parallel_loop3A_389 = arith.addi %parallel_loop3A_387, %parallel_loop3A_388 : i32
        %parallel_loop3A_390 = arith.constant 16 : i32
        %parallel_loop3A_391 = arith.muli %parallel_loop3A_389, %parallel_loop3A_390 : i32
        %parallel_loop3A_392 = tpu.memref_slice %arg4[%mul3A_85] : memref<98304xf32, #tpu.memory_space<vmem>> -> memref<32768xf32, #tpu.memory_space<vmem>>
        %parallel_loop3A_393 = arith.index_cast %parallel_loop3A_391 : i32 to index
        %parallel_loop3A_394 = tpu.vector_load %parallel_loop3A_392[%parallel_loop3A_393] {strides = array<i32>} : memref<32768xf32, #tpu.memory_space<vmem>>, vector<16xf32>,
        tpu.vector_store %parallel_loop3A_392[%parallel_loop3A_393], %parallel_loop3A_385 {strides = array<i32>} : memref<32768xf32, #tpu.memory_space<vmem>>, vector<16xf32>,
        %parallel_loop3A_395 = arith.constant 4 : i32
        %parallel_loop3A_396 = arith.muli %parallel_loop3A_346, %parallel_loop3A_395 : i32
        %parallel_loop3A_397 = arith.constant 2 : i32
        %parallel_loop3A_398 = arith.addi %parallel_loop3A_396, %parallel_loop3A_397 : i32
        %parallel_loop3A_399 = arith.constant 16 : i32
        %parallel_loop3A_400 = arith.muli %parallel_loop3A_398, %parallel_loop3A_399 : i32
        %parallel_loop3A_401 = tpu.memref_slice %arg4[%mul3A_85] : memref<98304xf32, #tpu.memory_space<vmem>> -> memref<32768xf32, #tpu.memory_space<vmem>>
        %parallel_loop3A_402 = arith.index_cast %parallel_loop3A_400 : i32 to index
        %parallel_loop3A_403 = tpu.vector_load %parallel_loop3A_401[%parallel_loop3A_402] {strides = array<i32>} : memref<32768xf32, #tpu.memory_space<vmem>>, vector<16xf32>,
        %parallel_loop3A_404 = arith.cmpf oge, %parallel_loop3A_403, %bitcast_convert_type3A_295 : vector<16xf32>
        %parallel_loop3A_405 = arith.constant 1.000000e+00 : f32
        %parallel_loop3A_406 = arith.constant 0.000000e+00 : f32
        %parallel_loop3A_407 = vector.broadcast %parallel_loop3A_405 : f32 to vector<16xf32>
        %parallel_loop3A_408 = vector.broadcast %parallel_loop3A_406 : f32 to vector<16xf32>
        %parallel_loop3A_409 = arith.select %parallel_loop3A_404, %parallel_loop3A_407, %parallel_loop3A_408 : vector<16xi1>, vector<16xf32>
        %parallel_loop3A_410 = arith.constant 4 : i32
        %parallel_loop3A_411 = arith.muli %parallel_loop3A_346, %parallel_loop3A_410 : i32
        %parallel_loop3A_412 = arith.constant 2 : i32
        %parallel_loop3A_413 = arith.addi %parallel_loop3A_411, %parallel_loop3A_412 : i32
        %parallel_loop3A_414 = arith.constant 16 : i32
        %parallel_loop3A_415 = arith.muli %parallel_loop3A_413, %parallel_loop3A_414 : i32
        %parallel_loop3A_416 = tpu.memref_slice %arg4[%mul3A_85] : memref<98304xf32, #tpu.memory_space<vmem>> -> memref<32768xf32, #tpu.memory_space<vmem>>
        %parallel_loop3A_417 = arith.index_cast %parallel_loop3A_415 : i32 to index
        %parallel_loop3A_418 = tpu.vector_load %parallel_loop3A_416[%parallel_loop3A_417] {strides = array<i32>} : memref<32768xf32, #tpu.memory_space<vmem>>, vector<16xf32>,
        tpu.vector_store %parallel_loop3A_416[%parallel_loop3A_417], %parallel_loop3A_409 {strides = array<i32>} : memref<32768xf32, #tpu.memory_space<vmem>>, vector<16xf32>,
        %parallel_loop3A_419 = arith.constant 4 : i32
        %parallel_loop3A_420 = arith.muli %parallel_loop3A_346, %parallel_loop3A_419 : i32
        %parallel_loop3A_421 = arith.constant 3 : i32
        %parallel_loop3A_422 = arith.addi %parallel_loop3A_420, %parallel_loop3A_421 : i32
        %parallel_loop3A_423 = arith.constant 16 : i32
        %parallel_loop3A_424 = arith.muli %parallel_loop3A_422, %parallel_loop3A_423 : i32
        %parallel_loop3A_425 = tpu.memref_slice %arg4[%mul3A_85] : memref<98304xf32, #tpu.memory_space<vmem>> -> memref<32768xf32, #tpu.memory_space<vmem>>
        %parallel_loop3A_426 = arith.index_cast %parallel_loop3A_424 : i32 to index
        %parallel_loop3A_427 = tpu.vector_load %parallel_loop3A_425[%parallel_loop3A_426] {strides = array<i32>} : memref<32768xf32, #tpu.memory_space<vmem>>, vector<16xf32>,
        %parallel_loop3A_428 = arith.cmpf oge, %parallel_loop3A_427, %bitcast_convert_type3A_295 : vector<16xf32>
        %parallel_loop3A_429 = arith.constant 1.000000e+00 : f32
        %parallel_loop3A_430 = arith.constant 0.000000e+00 : f32
        %parallel_loop3A_431 = vector.broadcast %parallel_loop3A_429 : f32 to vector<16xf32>
        %parallel_loop3A_432 = vector.broadcast %parallel_loop3A_430 : f32 to vector<16xf32>
        %parallel_loop3A_433 = arith.select %parallel_loop3A_428, %parallel_loop3A_431, %parallel_loop3A_432 : vector<16xi1>, vector<16xf32>
        %parallel_loop3A_434 = arith.constant 4 : i32
        %parallel_loop3A_435 = arith.muli %parallel_loop3A_346, %parallel_loop3A_434 : i32
        %parallel_loop3A_436 = arith.constant 3 : i32
        %parallel_loop3A_437 = arith.addi %parallel_loop3A_435, %parallel_loop3A_436 : i32
        %parallel_loop3A_438 = arith.constant 16 : i32
        %parallel_loop3A_439 = arith.muli %parallel_loop3A_437, %parallel_loop3A_438 : i32
        %parallel_loop3A_440 = tpu.memref_slice %arg4[%mul3A_85] : memref<98304xf32, #tpu.memory_space<vmem>> -> memref<32768xf32, #tpu.memory_space<vmem>>
        %parallel_loop3A_441 = arith.index_cast %parallel_loop3A_439 : i32 to index
        %parallel_loop3A_442 = tpu.vector_load %parallel_loop3A_440[%parallel_loop3A_441] {strides = array<i32>} : memref<32768xf32, #tpu.memory_space<vmem>>, vector<16xf32>,
        tpu.vector_store %parallel_loop3A_440[%parallel_loop3A_441], %parallel_loop3A_433 {strides = array<i32>} : memref<32768xf32, #tpu.memory_space<vmem>>, vector<16xf32>,
      } {sc.loop_unroll_factor = 2 : i64, sc.parallel_access}
      %jit3A_299 = arith.constant 3 : i32
      %eq3A_300 = arith.constant 0 : i32
      %eq3A_301 = arith.cmpi eq, %jit3A_299, %eq3A_300 : i32
      %jit3A_302 = arith.constant 1 : i32
      %select_n3A_303 = arith.select %eq3A_301, %jit3A_302, %jit3A_299 : i32
      %rem3A_304 = arith.remsi %scan3A_63, %select_n3A_303 : i32
      %ne3A_305 = arith.constant 0 : i32
      %ne3A_306 = arith.cmpi ne, %rem3A_304, %ne3A_305 : i32
      %lt3A_307 = arith.constant 0 : i32
      %lt3A_308 = arith.cmpi slt, %rem3A_304, %lt3A_307 : i32
      %lt3A_309 = arith.constant 0 : i32
      %lt3A_310 = arith.cmpi slt, %select_n3A_303, %lt3A_309 : i32
      %ne3A_311 = arith.xori %lt3A_308, %lt3A_310 : i1
      %and3A_312 = arith.andi %ne3A_311, %ne3A_306 : i1
      %add3A_313 = arith.addi %rem3A_304, %select_n3A_303 : i32
      %select_n3A_314 = arith.select %and3A_312, %add3A_313, %rem3A_304 : i32
      %mul3A_315 = arith.constant 32768 : i32
      %mul3A_316 = arith.muli %select_n3A_314, %mul3A_315 : i32
      %mul3A_317 = arith.constant 32768 : i32
      %mul3A_318 = arith.muli %scan3A_63, %mul3A_317 : i32
      %add3A_319 = arith.addi %mul3A_4, %mul3A_318 : i32
      %dma_start3A_320 = tpu.memref_slice %arg4[%mul3A_316] : memref<98304xf32, #tpu.memory_space<vmem>> -> memref<32768xf32, #tpu.memory_space<vmem>>
      %dma_start3A_321 = tpu.memref_slice %arg3[%add3A_319] : memref<4194304xf32, #tpu.memory_space<hbm>> -> memref<32768xf32, #tpu.memory_space<hbm>>
      %dma_start3A_322 = tpu.memref_slice %arg7[%select_n3A_314] : memref<3x!tpu.dma_semaphore, #tpu.memory_space<semaphore_mem>> -> memref<1x!tpu.dma_semaphore, #tpu.memory_space<semaphore_mem>>
      %dma_start3A_323 = tpu.memref_squeeze %dma_start3A_322 : memref<1x!tpu.dma_semaphore, #tpu.memory_space<semaphore_mem>> -> memref<!tpu.dma_semaphore, #tpu.memory_space<semaphore_mem>>
      %dma_start3A_324 = tpu.memref_slice %arg3[%add3A_319] : memref<4194304xf32, #tpu.memory_space<hbm>> -> memref<32768xf32, #tpu.memory_space<hbm>>
      %dma_start3A_325 = tpu.memref_slice %arg4[%mul3A_316] : memref<98304xf32, #tpu.memory_space<vmem>> -> memref<32768xf32, #tpu.memory_space<vmem>>
      tpu.enqueue_dma source(%dma_start3A_325 : memref<32768xf32, #tpu.memory_space<vmem>>) target(%dma_start3A_324 : memref<32768xf32, #tpu.memory_space<hbm>>) target_semaphore(%dma_start3A_323 : memref<!tpu.dma_semaphore, #tpu.memory_space<semaphore_mem>>)
      %add3A_326 = arith.constant 3 : i32
      %add3A_327 = arith.addi %scan3A_63, %add3A_326 : i32
      %sub3A_328 = arith.constant 1 : i32
      %sub3A_329 = arith.subi %add3A_327, %sub3A_328 : i32
      %lt3A_330 = arith.constant 4 : i32
      %lt3A_331 = arith.cmpi slt, %sub3A_329, %lt3A_330 : i32
      %ge3A = arith.constant 1 : i32
      %ge3A_332 = arith.cmpi sge, %scan3A_63, %ge3A : i32
      %and3A_333 = arith.andi %lt3A_331, %ge3A_332 : i1
      %convert_element_type3A_334 = arith.extui %and3A_333 : i1 to i32
      %cond3A_335 = arith.constant 0 : i32
      %cond3A_336 = arith.cmpi ne, %convert_element_type3A_334, %cond3A_335 : i32
      scf.if %cond3A_336 {
        %add3A_346 = arith.constant 3 : i32
        %add3A_347 = arith.addi %scan3A_63, %add3A_346 : i32
        %sub3A_348 = arith.constant 1 : i32
        %sub3A_349 = arith.subi %add3A_347, %sub3A_348 : i32
        %jit3A_350 = arith.constant 3 : i32
        %eq3A_351 = arith.constant 0 : i32
        %eq3A_352 = arith.cmpi eq, %jit3A_350, %eq3A_351 : i32
        %jit3A_353 = arith.constant 1 : i32
        %select_n3A_354 = arith.select %eq3A_352, %jit3A_353, %jit3A_350 : i32
        %rem3A_355 = arith.remsi %sub3A_349, %select_n3A_354 : i32
        %ne3A_356 = arith.constant 0 : i32
        %ne3A_357 = arith.cmpi ne, %rem3A_355, %ne3A_356 : i32
        %lt3A_358 = arith.constant 0 : i32
        %lt3A_359 = arith.cmpi slt, %rem3A_355, %lt3A_358 : i32
        %lt3A_360 = arith.constant 0 : i32
        %lt3A_361 = arith.cmpi slt, %select_n3A_354, %lt3A_360 : i32
        %ne3A_362 = arith.xori %lt3A_359, %lt3A_361 : i1
        %and3A_363 = arith.andi %ne3A_362, %ne3A_357 : i1
        %add3A_364 = arith.addi %rem3A_355, %select_n3A_354 : i32
        %select_n3A_365 = arith.select %and3A_363, %add3A_364, %rem3A_355 : i32
        %mul3A_366 = arith.constant 32768 : i32
        %mul3A_367 = arith.muli %select_n3A_365, %mul3A_366 : i32
        %dma_wait3A_368 = tpu.memref_slice %arg4[%mul3A_367] : memref<98304xf32, #tpu.memory_space<vmem>> -> memref<32768xf32, #tpu.memory_space<vmem>>
        %dma_wait3A_369 = arith.constant 0 : i32
        %dma_wait3A_370 = tpu.memref_slice %arg3[%dma_wait3A_369] : memref<4194304xf32, #tpu.memory_space<hbm>> -> memref<32768xf32, #tpu.memory_space<hbm>>
        %dma_wait3A_371 = tpu.memref_slice %arg7[%select_n3A_365] : memref<3x!tpu.dma_semaphore, #tpu.memory_space<semaphore_mem>> -> memref<1x!tpu.dma_semaphore, #tpu.memory_space<semaphore_mem>>
        %dma_wait3A_372 = tpu.memref_squeeze %dma_wait3A_371 : memref<1x!tpu.dma_semaphore, #tpu.memory_space<semaphore_mem>> -> memref<!tpu.dma_semaphore, #tpu.memory_space<semaphore_mem>>
        %dma_wait3A_373 = arith.constant 0 : i32
        %dma_wait3A_374 = tpu.memref_slice %arg3[%dma_wait3A_373] : memref<4194304xf32, #tpu.memory_space<hbm>> -> memref<32768xf32, #tpu.memory_space<hbm>>
        %dma_wait3A_375 = tpu.memref_slice %arg4[%mul3A_367] : memref<98304xf32, #tpu.memory_space<vmem>> -> memref<32768xf32, #tpu.memory_space<vmem>>
        tpu.wait_dma2 semaphore(%dma_wait3A_372 : memref<!tpu.dma_semaphore, #tpu.memory_space<semaphore_mem>>) src(%dma_wait3A_375 : memref<32768xf32, #tpu.memory_space<vmem>>) dst(%dma_wait3A_374 : memref<32768xf32, #tpu.memory_space<hbm>>)
      } else {
      }
      %add3A_337 = arith.constant 3 : i32
      %add3A_338 = arith.addi %scan3A_63, %add3A_337 : i32
      %sub3A_339 = arith.constant 1 : i32
      %sub3A_340 = arith.subi %add3A_338, %sub3A_339 : i32
      %lt3A_341 = arith.constant 4 : i32
      %lt3A_342 = arith.cmpi slt, %sub3A_340, %lt3A_341 : i32
      %convert_element_type3A_343 = arith.extui %lt3A_342 : i1 to i32
      %cond3A_344 = arith.constant 0 : i32
      %cond3A_345 = arith.cmpi ne, %convert_element_type3A_343, %cond3A_344 : i32
      scf.if %cond3A_345 {
        %add3A_346 = arith.constant 3 : i32
        %add3A_347 = arith.addi %scan3A_63, %add3A_346 : i32
        %sub3A_348 = arith.constant 1 : i32
        %sub3A_349 = arith.subi %add3A_347, %sub3A_348 : i32
        %jit3A_350 = arith.constant 3 : i32
        %eq3A_351 = arith.constant 0 : i32
        %eq3A_352 = arith.cmpi eq, %jit3A_350, %eq3A_351 : i32
        %jit3A_353 = arith.constant 1 : i32
        %select_n3A_354 = arith.select %eq3A_352, %jit3A_353, %jit3A_350 : i32
        %rem3A_355 = arith.remsi %sub3A_349, %select_n3A_354 : i32
        %ne3A_356 = arith.constant 0 : i32
        %ne3A_357 = arith.cmpi ne, %rem3A_355, %ne3A_356 : i32
        %lt3A_358 = arith.constant 0 : i32
        %lt3A_359 = arith.cmpi slt, %rem3A_355, %lt3A_358 : i32
        %lt3A_360 = arith.constant 0 : i32
        %lt3A_361 = arith.cmpi slt, %select_n3A_354, %lt3A_360 : i32
        %ne3A_362 = arith.xori %lt3A_359, %lt3A_361 : i1
        %and3A_363 = arith.andi %ne3A_362, %ne3A_357 : i1
        %add3A_364 = arith.addi %rem3A_355, %select_n3A_354 : i32
        %select_n3A_365 = arith.select %and3A_363, %add3A_364, %rem3A_355 : i32
        %mul3A_366 = arith.constant 32768 : i32
        %mul3A_367 = arith.muli %sub3A_349, %mul3A_366 : i32
        %add3A_368 = arith.addi %mul3A_4, %mul3A_367 : i32
        %mul3A_369 = arith.constant 32768 : i32
        %mul3A_370 = arith.muli %select_n3A_365, %mul3A_369 : i32
        %dma_start3A_371 = tpu.memref_slice %arg4[%mul3A_370] : memref<98304xf32, #tpu.memory_space<vmem>> -> memref<32768xf32, #tpu.memory_space<vmem>>
        %dma_start3A_372 = tpu.memref_slice %arg2[%add3A_368] : memref<4194304xf32, #tpu.memory_space<hbm>> -> memref<32768xf32, #tpu.memory_space<hbm>>
        %dma_start3A_373 = tpu.memref_slice %arg6[%select_n3A_365] : memref<3x!tpu.dma_semaphore, #tpu.memory_space<semaphore_mem>> -> memref<1x!tpu.dma_semaphore, #tpu.memory_space<semaphore_mem>>
        %dma_start3A_374 = tpu.memref_squeeze %dma_start3A_373 : memref<1x!tpu.dma_semaphore, #tpu.memory_space<semaphore_mem>> -> memref<!tpu.dma_semaphore, #tpu.memory_space<semaphore_mem>>
        %dma_start3A_375 = tpu.memref_slice %arg4[%mul3A_370] : memref<98304xf32, #tpu.memory_space<vmem>> -> memref<32768xf32, #tpu.memory_space<vmem>>
        %dma_start3A_376 = tpu.memref_slice %arg2[%add3A_368] : memref<4194304xf32, #tpu.memory_space<hbm>> -> memref<32768xf32, #tpu.memory_space<hbm>>
        tpu.enqueue_dma source(%dma_start3A_376 : memref<32768xf32, #tpu.memory_space<hbm>>) target(%dma_start3A_375 : memref<32768xf32, #tpu.memory_space<vmem>>) target_semaphore(%dma_start3A_374 : memref<!tpu.dma_semaphore, #tpu.memory_space<semaphore_mem>>)
      } else {
      }
    }
    %scan3A_30 = arith.constant 4 : i32
    %add3A_31 = arith.constant 32768 : i32
    %add3A_32 = arith.addi %mul3A_4, %add3A_31 : i32
    %dma_wait3A = arith.constant 1 : i32
    %dma_wait3A_33 = arith.constant 32768 : i32
    %dma_wait3A_34 = tpu.memref_slice %arg4[%dma_wait3A_33] : memref<98304xf32, #tpu.memory_space<vmem>> -> memref<32768xf32, #tpu.memory_space<vmem>>
    %dma_wait3A_35 = tpu.memref_slice %arg3[%add3A_32] : memref<4194304xf32, #tpu.memory_space<hbm>> -> memref<32768xf32, #tpu.memory_space<hbm>>
    %dma_wait3A_36 = tpu.memref_slice %arg7[%dma_wait3A] : memref<3x!tpu.dma_semaphore, #tpu.memory_space<semaphore_mem>> -> memref<1x!tpu.dma_semaphore, #tpu.memory_space<semaphore_mem>>
    %dma_wait3A_37 = tpu.memref_squeeze %dma_wait3A_36 : memref<1x!tpu.dma_semaphore, #tpu.memory_space<semaphore_mem>> -> memref<!tpu.dma_semaphore, #tpu.memory_space<semaphore_mem>>
    %dma_wait3A_38 = tpu.memref_slice %arg3[%add3A_32] : memref<4194304xf32, #tpu.memory_space<hbm>> -> memref<32768xf32, #tpu.memory_space<hbm>>
    %dma_wait3A_39 = arith.constant 32768 : i32
    %dma_wait3A_40 = tpu.memref_slice %arg4[%dma_wait3A_39] : memref<98304xf32, #tpu.memory_space<vmem>> -> memref<32768xf32, #tpu.memory_space<vmem>>
    tpu.wait_dma2 semaphore(%dma_wait3A_37 : memref<!tpu.dma_semaphore, #tpu.memory_space<semaphore_mem>>) src(%dma_wait3A_40 : memref<32768xf32, #tpu.memory_space<vmem>>) dst(%dma_wait3A_38 : memref<32768xf32, #tpu.memory_space<hbm>>)
    %add3A_41 = arith.constant 65536 : i32
    %add3A_42 = arith.addi %mul3A_4, %add3A_41 : i32
    %dma_wait3A_43 = arith.constant 2 : i32
    %dma_wait3A_44 = arith.constant 65536 : i32
    %dma_wait3A_45 = tpu.memref_slice %arg4[%dma_wait3A_44] : memref<98304xf32, #tpu.memory_space<vmem>> -> memref<32768xf32, #tpu.memory_space<vmem>>
    %dma_wait3A_46 = tpu.memref_slice %arg3[%add3A_42] : memref<4194304xf32, #tpu.memory_space<hbm>> -> memref<32768xf32, #tpu.memory_space<hbm>>
    %dma_wait3A_47 = tpu.memref_slice %arg7[%dma_wait3A_43] : memref<3x!tpu.dma_semaphore, #tpu.memory_space<semaphore_mem>> -> memref<1x!tpu.dma_semaphore, #tpu.memory_space<semaphore_mem>>
    %dma_wait3A_48 = tpu.memref_squeeze %dma_wait3A_47 : memref<1x!tpu.dma_semaphore, #tpu.memory_space<semaphore_mem>> -> memref<!tpu.dma_semaphore, #tpu.memory_space<semaphore_mem>>
    %dma_wait3A_49 = tpu.memref_slice %arg3[%add3A_42] : memref<4194304xf32, #tpu.memory_space<hbm>> -> memref<32768xf32, #tpu.memory_space<hbm>>
    %dma_wait3A_50 = arith.constant 65536 : i32
    %dma_wait3A_51 = tpu.memref_slice %arg4[%dma_wait3A_50] : memref<98304xf32, #tpu.memory_space<vmem>> -> memref<32768xf32, #tpu.memory_space<vmem>>
    tpu.wait_dma2 semaphore(%dma_wait3A_48 : memref<!tpu.dma_semaphore, #tpu.memory_space<semaphore_mem>>) src(%dma_wait3A_51 : memref<32768xf32, #tpu.memory_space<vmem>>) dst(%dma_wait3A_49 : memref<32768xf32, #tpu.memory_space<hbm>>)
    %add3A_52 = arith.constant 98304 : i32
    %add3A_53 = arith.addi %mul3A_4, %add3A_52 : i32
    %dma_wait3A_54 = arith.constant 0 : i32
    %dma_wait3A_55 = arith.constant 0 : i32
    %dma_wait3A_56 = tpu.memref_slice %arg4[%dma_wait3A_55] : memref<98304xf32, #tpu.memory_space<vmem>> -> memref<32768xf32, #tpu.memory_space<vmem>>
    %dma_wait3A_57 = tpu.memref_slice %arg3[%add3A_53] : memref<4194304xf32, #tpu.memory_space<hbm>> -> memref<32768xf32, #tpu.memory_space<hbm>>
    %dma_wait3A_58 = tpu.memref_slice %arg7[%dma_wait3A_54] : memref<3x!tpu.dma_semaphore, #tpu.memory_space<semaphore_mem>> -> memref<1x!tpu.dma_semaphore, #tpu.memory_space<semaphore_mem>>
    %dma_wait3A_59 = tpu.memref_squeeze %dma_wait3A_58 : memref<1x!tpu.dma_semaphore, #tpu.memory_space<semaphore_mem>> -> memref<!tpu.dma_semaphore, #tpu.memory_space<semaphore_mem>>
    %dma_wait3A_60 = tpu.memref_slice %arg3[%add3A_53] : memref<4194304xf32, #tpu.memory_space<hbm>> -> memref<32768xf32, #tpu.memory_space<hbm>>
    %dma_wait3A_61 = arith.constant 0 : i32
    %dma_wait3A_62 = tpu.memref_slice %arg4[%dma_wait3A_61] : memref<98304xf32, #tpu.memory_space<vmem>> -> memref<32768xf32, #tpu.memory_space<vmem>>
    tpu.wait_dma2 semaphore(%dma_wait3A_59 : memref<!tpu.dma_semaphore, #tpu.memory_space<semaphore_mem>>) src(%dma_wait3A_62 : memref<32768xf32, #tpu.memory_space<vmem>>) dst(%dma_wait3A_60 : memref<32768xf32, #tpu.memory_space<hbm>>)
    return
  }
}

</mosaic_0001>

<sc_bundles>
// kernel: kernel.3.cloned.1.call-start
scs
__scs_entry_jumppad:
0x0: {  	(pc) =	sbr.rel $0x88, $3  }
0x1: {  	(tag) =	ssettag $0x0;
	lr =	simm.s32 $0x1  }
0x2: {  	[smem:$0x3FA0] =	sst lr;
	_ =	strace $0xD0000000  }
0x3: {  	_ = 	snop  }
0x4: {  	_ = 	snop  }
0x5: {  	_ = 	snop  }
0x6: {  	_ = 	snop  }
0x7: {  	_ = 	snop  }
__scs_overlays_trampoline_lowered:
0x8: {  	[smem:$0x3FAF] =	sst s0  }
0x9: {  	[smem:$0x3FB0] =	sst s1  }
0xa: {  	[smem:$0x3FB1] =	sst s2  }
0xb: {  	[smem:$0x3FB2] =	sst s3  }
0xc: {  	[smem:$0x3FB3] =	sst s4  }
0xd: {  	[smem:$0x3FB4] =	sst s5  }
0xe: {  	[smem:$0x3FB5] =	sst s6  }
0xf: {  	[smem:$0x3FB6] =	sst s7  }
0x10: {  	[smem:$0x3FB7] =	sst s8  }
0x11: {  	[smem:$0x3FB8] =	sst s9;
	s0 =	simm.s32 @!p0 $0x0  }
0x12: {  	s1 =	sld [smem:$0x3F9E];
	s0 =	simm.s32 @p0 $0x1  }
0x13: {  	[smem:$0x3FB9] =	sst s0;
	s0 =	simm.s32 @!p1 $0x0  }
0x14: {  	s2 =	sld [smem:$0x3F9D];
	s0 =	simm.s32 @p1 $0x1  }
0x15: {  	[smem:$0x3FBA] =	sst s0;
	s0 =	simm.s32 @!p2 $0x0  }
0x16: {  	s3 =	sld [smem:$0x3FDB];
	s0 =	simm.s32 @p2 $0x1  }
0x17: {  	s4 =	simm.s32 $0x1BF5;
	[smem:$0x3FBC] =	sst s0  }
0x18: {  	s0 =	sld [smem:$0x3F9F];
	_ =	swait.ge [sflag:s4], $0x0  }
0x19: {  	s7 =	sld [smem:$0x3FA0]  }
0x1a: {  	s8 =	sadd.s32 $0xFFFFE003, lr  }
0x1b: {  	s9 =	sadd.s32 $0xFFFFFEF7, lr;
	s5 =	simm.s32 $0xFFFFFFFF;
	p2 =	slt.u32 s8, $0xFFFFF086  }
0x1c: {  	p1 =	slt.u32 s9, $0xF7A;
	s5 =	simm.s32 @!p2 $0x0  }
0x1d: {  	s5 =	simm.s32 @p1 $0x1;
	p0 =	seq.s32 s7, s2  }
0x1e: {  	s7 =	smul.u32 @!p0 $0xF7A, s2;
	p2 =	seq.s32 @!p0 s5, $0x0  }
0x1f: {  	s9 =	smul.u32 $0xF7A, s1;
	s8 =	simm.s32 @!p0 $0x1BF5;
	p2 =	por !p2, p0  }
0x20: {  	[sflag:s8] =	ssyncset.s32 @!p0 $0xFFFFF086;
	s6 =	sadd.s32 @!p0 s3, s7;
	s7 =	simm.s32 @!p0 $0x108  }
0x21: {  	s3 =	sadd.s32 s3, s9;
	s6 =	sadd.s32 @!p0 $0x88, s6;
	s7 =	simm.s32 @p2 $0x1082  }
0x22: {  	[simem:s7], [sflag:s8] =	dma.local @!p0 [hbm:s6], $0xF7A  }
0x23: {  	s9 =	sor.u32 $0xD0000000, s2;
	s6 =	simm.s32 $0x108;
	_ =	swait.ge @!p0 [sflag:s8], $0x0  }
0x24: {  	s3 =	sadd.s32 $0x88, s3;
	s6 =	simm.s32 @!p1 $0x1082;
	[sflag:s4] =	ssyncset.s32 $0xFFFFF086  }
0x25: {  	[simem:s6], [sflag:s4] =	dma.local [hbm:s3], $0xF7A  }
0x26: {  	[smem:$0x3FA0] =	sst s1;
	(tag) =	ssettag s2;
	_ =	strace s9  }
0x27: {  	s1 =	sld [smem:$0x3FB0]  }
0x28: {  	s2 =	sld [smem:$0x3FB1]  }
0x29: {  	s4 =	sld [smem:$0x3FB3]  }
0x2a: {  	p0 =	seq.s32 s5, $0x0;
	s5 =	sld [smem:$0x3FB4]  }
0x2b: {  	s6 =	sld [smem:$0x3FB5]  }
0x2c: {  	s7 =	sld [smem:$0x3FB6]  }
0x2d: {  	s3 =	simm.s32 $0x108;
	s8 =	sld [smem:$0x3FB7]  }
0x2e: {  	s3 =	simm.s32 @!p0 $0x1082;
	s9 =	sld [smem:$0x3FB8]  }
0x2f: {  	lr =	sadd.s32 s0, s3;
	s0 =	sld [smem:$0x3FAF]  }
0x30: {  	s3 =	sld [smem:$0x3FB2]  }
0x31: {  	[smem:$0x3FBB] =	sst s10  }
0x32: {  	s10 =	sld [smem:$0x3FB9];
	_ =	sdelay $0x3  }
0x33: {  	p0 =	seq.s32 s10, $0x1;
	s10 =	sld [smem:$0x3FBB];
	_ =	sdelay $0x3  }
0x34: {  	[smem:$0x3FBB] =	sst s10  }
0x35: {  	s10 =	sld [smem:$0x3FBA];
	_ =	sdelay $0x3  }
0x36: {  	p1 =	seq.s32 s10, $0x1;
	s10 =	sld [smem:$0x3FBB];
	_ =	sdelay $0x3  }
0x37: {  	[smem:$0x3FBB] =	sst s10  }
0x38: {  	s10 =	sld [smem:$0x3FBC]  }
0x39: {  	_ = 	snop;
	(pc) =	sbr.ind lr, $3  }
0x3a: {  	_ = 	snop  }
0x3b: {  	_ = 	snop  }
0x3c: {  	p2 =	seq.s32 s10, $0x1;
	s10 =	sld [smem:$0x3FBB]  }
0x3d: {  	_ =	shalt  }
0x3e: {  	_ =	shalt  }
0x3f: {  	_ =	shalt  }
0x40: {  	_ =	shalt  }
0x41: {  	_ =	shalt  }
0x42: {  	_ =	shalt  }
0x43: {  	_ =	shalt  }
0x44: {  	_ =	shalt  }
0x45: {  	_ =	shalt  }
0x46: {  	_ =	shalt  }
0x47: {  	_ =	shalt  }
0x48: {  	_ =	shalt  }
0x49: {  	_ =	shalt  }
0x4a: {  	_ =	shalt  }
0x4b: {  	_ =	shalt  }
0x4c: {  	_ =	shalt  }
0x4d: {  	_ =	shalt  }
0x4e: {  	_ =	shalt  }
0x4f: {  	_ =	shalt  }
0x50: {  	_ =	shalt  }
0x51: {  	_ =	shalt  }
0x52: {  	_ =	shalt  }
0x53: {  	_ =	shalt  }
0x54: {  	_ =	shalt  }
0x55: {  	_ =	shalt  }
0x56: {  	_ =	shalt  }
0x57: {  	_ =	shalt  }
0x58: {  	_ =	shalt  }
0x59: {  	_ =	shalt  }
0x5a: {  	_ =	shalt  }
0x5b: {  	_ =	shalt  }
0x5c: {  	_ =	shalt  }
0x5d: {  	_ =	shalt  }
0x5e: {  	_ =	shalt  }
0x5f: {  	_ =	shalt  }
0x60: {  	_ =	shalt  }
0x61: {  	_ =	shalt  }
0x62: {  	_ =	shalt  }
0x63: {  	_ =	shalt  }
0x64: {  	_ =	shalt  }
0x65: {  	_ =	shalt  }
0x66: {  	_ =	shalt  }
0x67: {  	_ =	shalt  }
0x68: {  	_ =	shalt  }
0x69: {  	_ =	shalt  }
0x6a: {  	_ =	shalt  }
0x6b: {  	_ =	shalt  }
0x6c: {  	_ =	shalt  }
0x6d: {  	_ =	shalt  }
0x6e: {  	_ =	shalt  }
0x6f: {  	_ =	shalt  }
0x70: {  	_ =	shalt  }
0x71: {  	_ =	shalt  }
0x72: {  	_ =	shalt  }
0x73: {  	_ =	shalt  }
0x74: {  	_ =	shalt  }
0x75: {  	_ =	shalt  }
0x76: {  	_ =	shalt  }
0x77: {  	_ =	shalt  }
0x78: {  	_ =	shalt  }
0x79: {  	_ =	shalt  }
0x7a: {  	_ =	shalt  }
0x7b: {  	_ =	shalt  }
0x7c: {  	_ =	shalt  }
0x7d: {  	_ =	shalt  }
0x7e: {  	_ =	shalt  }
0x7f: {  	_ =	shalt  }
0x80: {  	_ =	shalt  }
0x81: {  	_ =	shalt  }
0x82: {  	_ =	shalt  }
0x83: {  	_ =	shalt  }
0x84: {  	_ =	shalt  }
0x85: {  	_ =	shalt  }
0x86: {  	_ =	shalt  }
0x87: {  	_ =	shalt  }
.Lfunc_end0:
.L_simem_size_0:
called_computation_lowered:
.L_overlay_start_0:
0x88: {  	s2 =	sld [smem:$0x3FD9]  }
0x89: {  	s3 =	sld [smem:$0x3FFE];
	_ =	sdelay $0x1  }
0x8a: {  	s1 =	srdreg.scid  }
0x8b: {  	s0 =	sand.u32 $0x1, s1  }
0x8c: {  	s18 =	sshll.u32 s0, $0xA;
	s2 =	sadd.s32 s3, s2  }
0x8d: {  	s2 =	sadd.s32 s2, s18  }
0x8e: {  	[smem:$0x3FC7] =	sst s2  }
0x8f: {  	_ = 	snop  }
0x90: {  	s2 =	sld [smem:$0x3FC9]  }
0x91: {  	s19 =	sld [smem:$0x3FD0];
	(tm) =	ssettm $0x1  }
0x92: {  	s4 =	sld [smem:$0x3FFB];
	_ =	sdelay $0x3  }
0x93: {  	_ =	strace s4  }
0x94: {  	s4 =	sld [smem:$0x3FFC];
	_ =	sdelay $0x3  }
0x95: {  	_ =	strace s4  }
0x96: {  	s4 =	sld [smem:$0x3FFD];
	_ =	sdelay $0x3  }
0x97: {  	_ =	strace s4  }
0x98: {  	_ =	strace $0x8FFFFFFF  }
0x99: {  	s20 =	sld [smem:$0x3FDB];
	_ =	sdelay $0x1  }
0x9a: {  	s5 =	simm.s32 $_scs_section_size  }
0x9b: {  	s6 =	simm.s32 $_size__tile_overlayer_lowered;
	s7 =	simm.s32 $_tile_overlayer_lowered  }
0x9c: {  	s23 =	simm.s32 $0x1BFF;
	s22 =	sshll.u32 s7, $0x1;
	s4 =	sadd.s32 s5, s20  }
0x9d: {  	s8 =	simm.s32 $0x0;
	s21 =	sshll.u32 s6, $0x1;
	s6 =	sadd.s32 s22, s4  }
0x9e: {  	[timem:s8], [sflag:s23] =	dma.local [hbm:s6], s21  }
0x9f: {  	_ =	swait.ge [sflag:s23], s21  }
0xa0: {  	s5 =	ssub.s32 $0x0, s21;
	[sflag:s23] =	ssyncset.done $0x0  }
0xa1: {  	[sflag:s23] =	ssyncadd.s32 s5;
	_ =	sdelay $0x1  }
0xa2: {  	s24 =	simm.s32 $0x1B8B  }
0xa3: {  	_ =	swait.ge [sflag:s24], $0x1  }
0xa4: {  	[sflag:s24] =	ssyncset.done $0x0  }
0xa5: {  	s25 =	simm.s32 $0x1B8E;
	[sflag:s24] =	ssyncadd.s32 $0xFFFFFFFF  }
0xa6: {  	s26 =	simm.s32 $execute0_lowered;
	[smem:$0x3FD2] =	sst s25  }
0xa7: {  	s5 =	sshll.u32 s26, $0x1;
	_ =	strace $0x80000046;
	[dreg:$0x1] =	wrdreg $0xFFFFFFFF  }
0xa8: {  	s28 =	simm.s32 $_size_execute0_lowered;
	s4 =	sadd.s32 s4, s5;
	[dreg:$0x0] =	wrdreg $0x0  }
0xa9: {  	s5 =	sshll.u32 s28, $0x1;
	[dreg:$0x2] =	wrdreg s4  }
0xaa: {  	[dreg:$0x3] =	wrdreg s5  }
0xab: {  	[dreg:$0x4] =	wrdreg $0xC0  }
0xac: {  	_ =	task [dreg:s8], $0x5FFFF  }
0xad: {  	[dreg:$0x1] =	wrdreg $0xFFFFFFFF  }
0xae: {  	[dreg:$0x0] =	wrdreg $0x60  }
0xaf: {  	[dreg:$0x2] =	wrdreg s2  }
0xb0: {  	[dreg:$0x3] =	wrdreg s19  }
0xb1: {  	[dreg:$0x4] =	wrdreg $0x9  }
0xb2: {  	_ =	task.clear_ibuf [dreg:s8], $0x5FFFF;
	_ =	strace $0x90000046  }
0xb3: {  	s29 =	simm.s32 $0x9;
	_ =	strace $0x80000048  }
0xb4: {  	_ =	swait.ge [sflag:s29], $0x1  }
0xb5: {  	[sflag:s29] =	ssyncadd.s32 $0xFFFFFFFF  }
0xb6: {  	_ =	strace $0x90000048  }
0xb7: {  	_ =	sfence  }
0xb8: {  	s30 =	sld [smem:$0x0];
	_ =	sdelay $0x2  }
0xb9: {  	s31 =	sshll.u32 s1, $0xD;
	s1 =	sshrl.u32 s1, $0x2  }
0xba: {  	s3 =	sand.u32 $0x4000, s31;
	s1 =	sadd.s32 s1, s30  }
0xbb: {  	s0 =	sor.u32 s3, s0;
	s1 =	sshll.u32 s1, $0x11  }
0xbc: {  	s0 =	sor.u32 s1, s0  }
0xbd: {  	s0 =	sadd.s32 $0x8F2B, s0  }
0xbe: {  	[sflag:s0] =	ssyncadd.remote.s32 $0x1  }
0xbf: {  	_ =	sfence.sel $0xFFFF  }
0xc0: {  	[dreg:$0x0] =	wrdreg $0xFFFFFFFF;
	(pc) =	sbr.abs _section_cstart, $3  }
0xc1: {  	[dreg:$0x1] =	wrdreg $0xFFFFFFFF  }
0xc2: {  	_ =	task.clear_ibuf [dreg:s8], $0x2FFFF;
	_ =	strace $0x9FFFFFFF  }
0xc3: {  	(tm) =	ssettm $0x7FFFFFFF  }
tec
execute0_lowered:
.L_overlay_start_1:
0x0: {  	(tag) =	ssettag $0x1  }
0x1: {  	s2 =	rddreg [dreg:$0x0]  }
0x2: {  	s0 =	srdreg.scid;
	s3 =	rddreg [dreg:$0x1]  }
0x3: {  	s1 =	stileid.u32;
	s4 =	simm.s32 $0x0;
	s10 =	simm.s32 $0x8000  }
0x4: {  	s11 =	simm.s32 $0x18000;
	s12 =	simm.s32 $0x5;
	s13 =	simm.s32 $0x6  }
0x5: {  	s14 =	simm.s32 $0x4;
	s15 =	simm.s32 $0x0;
	s5 =	sand.u32 $0x1, s0  }
.Ltmp0:
0x6: {  	s6 =	sshll.u32 s1, $0x12;
	s7 =	sshll.u32 s5, $0x11;
	(pc) =	sbr.rel .LBB2_1-.Ltmp0, $4  }
0x7: {  	s0 =	rddreg [dreg:$0x2];
	s8 =	ssub.s32 $0x2, s5;
	s5 =	sor.u32 s7, s6  }
0x8: {  	[smem:$0x7FF] =	sst s4;
	s31 =	sshrl.u32 s8, $0x1;
	s7 =	sshrl.u32 s5, $0x3  }
0x9: {  	v0 =	vimm.s32 $0x80000000;
	v1 =	vimm.f32 $-Inf;
	_ =	strace $0x80000047;
	s9 =	ssub.s32 s8, s31;
	s6 =	sadd.s32 s2, s7  }
0xa: {  	v2 =	vlaneseq.u32;
	v3 =	vimm.s32 $0x0;
	v4 =	vimm.f32 $0.0e+00;
	s8 =	sor.u32 $0x10000, s5;
	s9 =	smax.u32 s9, $0x1;
	s7 =	sadd.s32 $0x1000, s6  }
.LBB2_31:
0xb: {  	_ =	swait.ge [sflag:s12], $0x8000  }
0xc: {  	[sflag:s12] =	ssyncset.done $0x0  }
0xd: {  	s15 =	sadd.s32 $0x1, s15;
	[sflag:s12] =	ssyncadd.s32 $0xFFFF8000  }
0xe: {  	p0 =	sne.s32 s15, s9;
	_ =	swait.ge [sflag:s13], $0x8000  }
.Ltmp1:
0xf: {  	[sflag:s13] =	ssyncset.done $0x0;
	(pc) =	sbr.rel @!p0 .LBB2_32-.Ltmp1, $4  }
0x10: {  	[sflag:s13] =	ssyncadd.s32 $0xFFFF8000  }
0x11: {  	_ =	swait.ge [sflag:s14], $0x8000  }
0x12: {  	[sflag:s14] =	ssyncset.done $0x0  }
0x13: {  	[sflag:s14] =	ssyncadd.s32 $0xFFFF8000  }
.LBB2_1:
.Ltmp2:
0x14: {  	(pc) =	sbr.rel .LBB2_2-.Ltmp2, $4  }
0x15: {  	_ = 	snop  }
0x16: {  	[tilespmem:s4], [sflag:$0x1] =	stream.linear.gather [hbm4b:s6+s4], $0x8000, $0x38;
	[tilespmem:$0x18200] =	vst v63  }
0x17: {  	s16 =	simm.s32 $0x0  }
0x18: {  	[tilespmem:s10], [sflag:$0x2] =	stream.linear.gather [hbm4b:s7+s4], $0x8000, $0x38;
	[tilespmem:$0x18200] =	vst v63  }
.LBB2_29:
0x19: {  	s17 =	sadd.s32 $0xFFFFFFFF, s16  }
0x1a: {  	s18 =	sadd.s32 s8, s20;
	s17 =	simm.s32 @p0 $0x2  }
0x1b: {  	s18 =	sshrl.u32 s18, $0x3;
	s19 =	sshll.u32 s17, $0xF  }
0x1c: {  	s17 =	sadd.s32 $0x1, s17;
	s18 =	sadd.s32 s2, s18;
	s19 =	sand.u32 $0x3FFF8000, s19  }
0x1d: {  	[tilespmem:s19], [sflag:s17] =	stream.linear.gather [hbm4b:s18+s4], $0x8000, $0x38;
	[tilespmem:$0x18200] =	vst v63  }
.LBB2_30:
0x1e: {  	s16 =	sadd.s32 $0x1, s16  }
0x1f: {  	p0 =	sne.s32 s16, $0x4  }
.Ltmp3:
0x20: {  	_ = 	snop;
	(pc) =	sbr.rel @!p0 .LBB2_31-.Ltmp3, $1  }
0x21: {  	_ =	sdelay $0x3  }
.LBB2_2:
0x22: {  	p0 =	seq.s32 s16, $0x3;
	s17 =	smov.u32 s16  }
0x23: {  	s17 =	simm.s32 @p0 $0x0  }
0x24: {  	s19 =	sadd.s32 $0x1, s17  }
0x25: {  	s18 =	sshll.u32 s17, $0x11;
	_ =	swait.ge [sflag:s19], $0x8000  }
0x26: {  	s18 =	sshra.s32 s18, $0x2;
	[sflag:s19] =	ssyncset.done $0x0  }
0x27: {  	s21 =	sor.u32 $0x7010, s18;
	[sflag:s19] =	ssyncadd.s32 $0xFFFF8000  }
0x28: {  	v7 =	vld [tilespmem:s21+$0xFFFF9000]  }
0x29: {  	v8 =	vld [tilespmem:s21+$0xFFFFA000]  }
0x2a: {  	v5 =	vld [tilespmem:s21+$0xFFFFB000]  }
0x2b: {  	v6 =	vld [tilespmem:s21+$0xFFFFC000]  }
0x2c: {  	s19 =	simm.s32 $0x0;
	v10 =	vld [tilespmem:s21+$0xFFFFD000]  }
0x2d: {  	s20 =	sand.u32 $0xF80, s19;
	v9 =	vld [tilespmem:s21+$0xFFFFE000]  }
0x2e: {  	s22 =	sand.u32 $0x60, s19;
	v11 =	vld [tilespmem:s21+$0xFFFFF000];
	s20 =	sadd.s32 s20, s18  }
0x2f: {  	v13 =	vld [tilespmem:s21+$0xFFFF8FF0];
	s20 =	sadd.s32 s22, s20  }
0x30: {  	v14 =	vld [tilespmem:s20+$0x1000]  }
0x31: {  	v22 =	vld [tilespmem:s20+$0x2000]  }
0x32: {  	v23 =	vld [tilespmem:s20+$0x3000]  }
0x33: {  	v24 =	vld [tilespmem:s20+$0x4000]  }
0x34: {  	v18 =	vld [tilespmem:s20+$0x5000]  }
0x35: {  	v12 =	vimm.f32 $-Inf;
	v15 =	vimm.f32 $-Inf;
	v19 =	vld [tilespmem:s20+$0x6000]  }
0x36: {  	v16 =	vimm.f32 $-Inf;
	v17 =	vimm.f32 $-Inf;
	v20 =	vld [tilespmem:s20+$0x7000];
	v25 =	vmax.f32 v12, v13  }
0x37: {  	v21 =	vld [tilespmem:s21+$0x0];
	s21 =	sadd.s32 $0x20, s21;
	s20 =	simm.s32 $0x0;
	v13 =	vimm.f32 $-Inf;
	v26 =	vmax.f32 v12, v14;
	v14 =	vimm.f32 $-Inf  }
.LBB2_3:
0x38: {  	v25 =	vmax.f32 v25, v7;
	v7 =	vld [tilespmem:s21+$0xFFFF9000];
	v26 =	vmax.f32 v26, v8  }
0x39: {  	v12 =	vmax.f32 v12, v22;
	v13 =	vmax.f32 v13, v23;
	v14 =	vmax.f32 v14, v24;
	v8 =	vld [tilespmem:s21+$0xFFFFA000]  }
0x3a: {  	v12 =	vmax.f32 v12, v5;
	v13 =	vmax.f32 v13, v6;
	v14 =	vmax.f32 v14, v10;
	v5 =	vld [tilespmem:s21+$0xFFFFB000]  }
0x3b: {  	v15 =	vmax.f32 v15, v18;
	v16 =	vmax.f32 v16, v19;
	v6 =	vld [tilespmem:s21+$0xFFFFC000];
	v17 =	vmax.f32 v17, v20  }
0x3c: {  	s19 =	sadd.s32 $0x20, s19;
	v15 =	vmax.f32 v15, v9;
	v16 =	vmax.f32 v16, v11;
	v10 =	vld [tilespmem:s21+$0xFFFFD000];
	v17 =	vmax.f32 v17, v21  }
0x3d: {  	s22 =	sand.u32 $0xF80, s19;
	v9 =	vld [tilespmem:s21+$0xFFFFE000]  }
0x3e: {  	s23 =	sand.u32 $0x60, s19;
	s22 =	sadd.s32 s22, s18;
	v11 =	vld [tilespmem:s21+$0xFFFFF000]  }
0x3f: {  	s22 =	sadd.s32 s23, s22;
	v21 =	vld [tilespmem:s21+$0xFFFF8FF0]  }
0x40: {  	v27 =	vld [tilespmem:s22+$0x1000]  }
0x41: {  	s20 =	sadd.s32 $0x2, s20;
	v22 =	vld [tilespmem:s22+$0x2000]  }
0x42: {  	p0 =	slt.u32 s20, $0xFE;
	v23 =	vld [tilespmem:s22+$0x3000]  }
.Ltmp4:
0x43: {  	v24 =	vld [tilespmem:s22+$0x4000];
	(pc) =	sbr.rel @p0 .LBB2_3-.Ltmp4, $4  }
0x44: {  	v18 =	vld [tilespmem:s22+$0x5000]  }
0x45: {  	v19 =	vld [tilespmem:s22+$0x6000]  }
0x46: {  	v20 =	vld [tilespmem:s22+$0x7000]  }
0x47: {  	v25 =	vmax.f32 v25, v21;
	v26 =	vmax.f32 v26, v27;
	v21 =	vld [tilespmem:s21+$0x0];
	s21 =	sadd.s32 $0x20, s21  }
0x48: {  	v7 =	vmax.f32 v25, v7;
	v8 =	vmax.f32 v26, v8  }
0x49: {  	v12 =	vmax.f32 v12, v22;
	v13 =	vmax.f32 v13, v23;
	v14 =	vmax.f32 v14, v24  }
0x4a: {  	v5 =	vmax.f32 v12, v5;
	v6 =	vmax.f32 v13, v6;
	v10 =	vmax.f32 v14, v10  }
0x4b: {  	v12 =	vmax.f32 v15, v18;
	v15 =	vimm.s32 $0x80000000;
	v13 =	vmax.f32 v16, v19  }
0x4c: {  	v16 =	vmax.f32 v12, v9;
	v9 =	vshra.s32 v7, $0x1F;
	v12 =	vshra.s32 v8, $0x1F  }
0x4d: {  	v14 =	vmax.f32 v17, v20;
	v11 =	vmax.f32 v13, v11;
	v9 =	vor.u32 $0x80000000, v9  }
0x4e: {  	v13 =	vor.u32 $0x80000000, v12;
	v17 =	vmax.f32 v14, v21;
	v14 =	vshra.s32 v5, $0x1F  }
0x4f: {  	v12 =	vxor.u32 v7, v9;
	v13 =	vxor.u32 v8, v13;
	v7 =	vor.u32 $0x80000000, v14  }
0x50: {  	v9 =	vxor.u32 v5, v7;
	v5 =	vshra.s32 v6, $0x1F;
	v7 =	vshra.s32 v10, $0x1F  }
0x51: {  	v8 =	vshra.s32 v16, $0x1F;
	v5 =	vor.u32 $0x80000000, v5;
	v7 =	vor.u32 $0x80000000, v7  }
0x52: {  	v14 =	vxor.u32 v6, v5;
	v10 =	vxor.u32 v10, v7;
	v5 =	vor.u32 $0x80000000, v8  }
0x53: {  	v6 =	vshra.s32 v17, $0x1F;
	v8 =	vxor.u32 v16, v5;
	v5 =	vshra.s32 v11, $0x1F  }
0x54: {  	v6 =	vor.u32 $0x80000000, v6;
	v7 =	vor.u32 $0x80000000, v5;
	v5 =	vimm.s32 $0x0  }
0x55: {  	s19 =	simm.s32 $0x1F;
	v6 =	vxor.u32 v17, v6;
	v11 =	vxor.u32 v11, v7;
	v7 =	vor.u32 v5, v15  }
.LBB2_5:
0x56: {  	p0 =	sne.s32 s19, $0x1;
	vm0 =	vge.u32 v12, v7;
	vm1 =	vge.u32 v13, v7  }
0x57: {  	v16 =	vmpcnt.ones.xlane vm0;
	v17 =	vmpcnt.ones.xlane vm1;
	vm0 =	vge.u32 v9, v7  }
0x58: {  	v18 =	vmpcnt.ones.xlane vm0;
	vm0 =	vge.u32 v14, v7  }
0x59: {  	v19 =	vmpcnt.ones.xlane vm0;
	vm0 =	vge.u32 v10, v7;
	v16 =	vadd.s32 v16, v17  }
0x5a: {  	v17 =	vmpcnt.ones.xlane vm0;
	vm0 =	vge.u32 v8, v7;
	v16 =	vadd.s32 v18, v16  }
0x5b: {  	v18 =	vmpcnt.ones.xlane vm0;
	vm0 =	vge.u32 v11, v7;
	v16 =	vadd.s32 v19, v16  }
0x5c: {  	v19 =	vmpcnt.ones.xlane vm0;
	vm0 =	vge.u32 v6, v7;
	v16 =	vadd.s32 v17, v16  }
0x5d: {  	v17 =	vmpcnt.ones.xlane vm0;
	v16 =	vadd.s32 v18, v16  }
.Ltmp5:
0x5e: {  	v16 =	vadd.s32 v19, v16;
	(pc) =	sbr.rel @p0 .LBB2_5-.Ltmp5, $4  }
0x5f: {  	v16 =	vadd.s32 v17, v16  }
0x60: {  	vm0 =	vgt.s32 v16, $0x3F  }
0x61: {  	v15 =	vshrl.u32 v15, $0x1;
	v5 =	vsel vm0, v7, v5  }
0x62: {  	s19 =	sadd.s32 $0xFFFFFFFF, s19;
	v7 =	vor.u32 v5, v15  }
0x63: {  	[tilespmem:$0x18000] =	vst v1  }
0x64: {  	[tilespmem:$0x18010] =	vst v1  }
0x65: {  	[tilespmem:$0x18020] =	vst v1  }
0x66: {  	[tilespmem:$0x18030] =	vst v1  }
0x67: {  	[tilespmem:$0x18040] =	vst v1  }
0x68: {  	[tilespmem:$0x18050] =	vst v1  }
0x69: {  	[tilespmem:$0x18060] =	vst v1  }
0x6a: {  	[tilespmem:$0x18070] =	vst v1  }
0x6b: {  	[tilespmem:$0x18080] =	vst v1  }
0x6c: {  	[tilespmem:$0x18090] =	vst v1  }
0x6d: {  	[tilespmem:$0x180A0] =	vst v1  }
0x6e: {  	[tilespmem:$0x180B0] =	vst v1  }
0x6f: {  	[tilespmem:$0x180C0] =	vst v1  }
0x70: {  	[tilespmem:$0x180D0] =	vst v1  }
0x71: {  	[tilespmem:$0x180E0] =	vst v1  }
0x72: {  	[tilespmem:$0x180F0] =	vst v1  }
0x73: {  	[tilespmem:$0x18100] =	vst v1  }
0x74: {  	[tilespmem:$0x18110] =	vst v1  }
0x75: {  	[tilespmem:$0x18120] =	vst v1  }
0x76: {  	[tilespmem:$0x18130] =	vst v1  }
0x77: {  	[tilespmem:$0x18140] =	vst v1  }
0x78: {  	[tilespmem:$0x18150] =	vst v1  }
0x79: {  	vm0 =	vge.u32 v12, v7;
	vm1 =	vge.u32 v13, v7;
	[tilespmem:$0x18160] =	vst v1  }
0x7a: {  	[tilespmem:$0x18170] =	vst v1;
	v12 =	vmpcnt.ones.xlane vm0;
	v13 =	vmpcnt.ones.xlane vm1;
	vm0 =	vge.u32 v9, v7  }
0x7b: {  	[tilespmem:$0x18180] =	vst v1;
	v9 =	vmpcnt.ones.xlane vm0;
	vm0 =	vge.u32 v14, v7  }
0x7c: {  	[tilespmem:$0x18190] =	vst v1;
	v14 =	vmpcnt.ones.xlane vm0;
	vm0 =	vge.u32 v10, v7;
	v10 =	vadd.s32 v12, v13  }
0x7d: {  	[tilespmem:$0x181A0] =	vst v1;
	v12 =	vmpcnt.ones.xlane vm0;
	vm0 =	vge.u32 v8, v7;
	v8 =	vadd.s32 v9, v10  }
0x7e: {  	[tilespmem:$0x181B0] =	vst v1;
	v9 =	vmpcnt.ones.xlane vm0;
	vm0 =	vge.u32 v11, v7;
	v8 =	vadd.s32 v14, v8  }
0x7f: {  	[tilespmem:$0x181C0] =	vst v1;
	v10 =	vmpcnt.ones.xlane vm0;
	vm0 =	vge.u32 v6, v7;
	v6 =	vadd.s32 v12, v8  }
0x80: {  	[tilespmem:$0x181D0] =	vst v1;
	v8 =	vmpcnt.ones.xlane vm0;
	v6 =	vadd.s32 v9, v6  }
0x81: {  	[tilespmem:$0x181E0] =	vst v1;
	v6 =	vadd.s32 v10, v6  }
0x82: {  	[tilespmem:$0x181F0] =	vst v1;
	s19 =	sadd.s32 $0x40, s18;
	v6 =	vadd.s32 v8, v6  }
0x83: {  	v9 =	vld [tilespmem:s19+$0x10];
	vm0 =	vgt.s32 v6, $0x3F  }
0x84: {  	v6 =	vld [tilespmem:s19+$0xFFFFFFD0];
	v8 =	vsel vm0, v7, v5  }
0x85: {  	v5 =	vld [tilespmem:s19+$0x20];
	vm0 =	vgt.s32 v8, $0xFFFFFFFF  }
0x86: {  	v7 =	vld [tilespmem:s19+$0x0];
	v10 =	vsel vm0, $0xFFFFFFFF, v0  }
0x87: {  	v13 =	vxor.u32 v8, v10;
	v8 =	vld [tilespmem:s19+$0xFFFFFFC0]  }
0x88: {  	v10 =	vld [tilespmem:s19+$0xFFFFFFE0]  }
0x89: {  	v16 =	vimm.s32 $0x100  }
0x8a: {  	v18 =	vimm.s32 $0x0;
	vm5 =	vlt.s32 v16, $0x200;
	vm2 =	vge.f32 v6, v13  }
0x8b: {  	vm6 =	vlt.s32 v18, $0x100;
	vm1 =	vge.f32 v9, v13;
	v11 =	vsel vm2, $0x10, v3  }
0x8c: {  	vm0 =	vge.f32 v5, v13;
	vm3 =	vge.f32 v7, v13;
	vm4 =	vge.f32 v8, v13  }
0x8d: {  	v15 =	vadd.s32 v16, v11;
	vm7 =	vge.f32 v10, v13;
	v11 =	vsel vm4, $0x10, v3  }
0x8e: {  	vm4 =	vmand vm6, vm4;
	v21 =	vsel vm7, $0x10, v3;
	v12 =	vadd.s32 v18, v11;
	v11 =	vld [tilespmem:s19+$0x30]  }
0x8f: {  	vm6 =	vlt.s32 v12, $0x100;
	v19 =	vadd.s32 v2, v12;
	v21 =	vadd.s32 v12, v21;
	v12 =	vld [tilespmem:s19+$0xFFFFFFF0]  }
0x90: {  	v20 =	vsel vm1, $0x10, v3;
	v14 =	vsel vm0, $0x10, v3;
	v17 =	vsel vm3, $0x10, v3  }
0x91: {  	s20 =	simm.s32 $0x0;
	s21 =	sadd.s32 $0x80, s19;
	vm6 =	vmand vm6, vm7;
	vm7 =	vlt.s32 v21, $0x100;
	v17 =	vadd.s32 v21, v17  }
.LBB2_7:
0x92: {  	v22 =	vld [tilespmem:s21+$0xFFFFFFD0];
	s20 =	sadd.s32 $0x4, s20;
	vm5 =	vmand vm5, vm2;
	v18 =	vadd.s32 v2, v18;
	v21 =	vadd.s32 v2, v21;
	v23 =	vmovc v9  }
0x93: {  	v25 =	vadd.s32 v2, v16;
	v26 =	vadd.s32 v2, v15;
	v27 =	vadd.s32 v2, v17;
	v24 =	vld [tilespmem:s21+$0x30];
	p0 =	slt.u32 s20, $0x3FC  }
0x94: {  	vm2 =	vge.f32 v12, v13;
	vm9 =	vlt.s32 v15, $0x200;
	vm8 =	vge.f32 v11, v13;
	v28 =	vld [tilespmem:s21+$0x20]  }
0x95: {  	vm9 =	vmand vm9, vm2;
	v9 =	vsel vm2, $0x10, v3;
	v16 =	vsel vm8, $0x10, v3;
	v29 =	vld [tilespmem:s21+$0x0]  }
0x96: {  	vm7 =	vmand vm7, vm3;
	vm3 =	vlt.s32 v17, $0x100;
	v31 =	vadd.s32 v15, v9;
	v30 =	vld [tilespmem:s21+$0xFFFFFFF0]  }
0x97: {  	vm2 =	vge.f32 v22, v13;
	v9 =	vld [tilespmem:s21+$0x10];
	[tilespmem:v19+s11+$0x0] =	vst.idx.msk vm6, v10;
	vm6 =	vlt.s32 v31, $0x200;
	v19 =	vadd.s32 v31, v20  }
0x98: {  	v10 =	vsel vm2, $0x10, v3;
	[tilespmem:v18+s11+$0x0] =	vst.idx.msk vm4, v8;
	v8 =	vld [tilespmem:s21+$0xFFFFFFC0];
	v32 =	vadd.s32 v2, v19;
	v16 =	vadd.s32 v19, v16  }
0x99: {  	vm10 =	vmand vm3, vm0;
	vm3 =	vlt.s32 v19, $0x200;
	v15 =	vadd.s32 v16, v10;
	v10 =	vld [tilespmem:s21+$0xFFFFFFE0];
	[tilespmem:v25+s11+$0x0] =	vst.idx.msk vm5, v6;
	v6 =	vmovc v22  }
0x9a: {  	vm0 =	vge.f32 v28, v13;
	v22 =	vadd.s32 v2, v31;
	vm11 =	vmand vm3, vm8  }
0x9b: {  	v18 =	vadd.s32 v17, v14;
	vm8 =	vmand vm6, vm1;
	v14 =	vsel vm0, $0x10, v3;
	[tilespmem:v26+s11+$0x0] =	vst.idx.msk vm9, v12;
	v12 =	vmovc v30  }
0x9c: {  	vm5 =	vlt.s32 v16, $0x200;
	vm3 =	vge.f32 v29, v13;
	vm1 =	vge.f32 v9, v13;
	[tilespmem:v21+s11+$0x0] =	vst.idx.msk vm7, v7  }
.Ltmp6:
0x9d: {  	vm6 =	vlt.s32 v18, $0x100;
	v17 =	vsel vm3, $0x10, v3;
	v7 =	vmovc v29;
	vm4 =	vge.f32 v8, v13;
	(pc) =	sbr.rel @p0 .LBB2_7-.Ltmp6, $4  }
0x9e: {  	v20 =	vsel vm1, $0x10, v3;
	v19 =	vsel vm4, $0x10, v3;
	vm7 =	vge.f32 v10, v13  }
0x9f: {  	vm4 =	vmand vm6, vm4;
	v21 =	vadd.s32 v18, v19;
	v25 =	vsel vm7, $0x10, v3;
	[tilespmem:v27+s11+$0x0] =	vst.idx.msk vm10, v5;
	v5 =	vmovc v28  }
0xa0: {  	vm6 =	vlt.s32 v21, $0x100;
	v19 =	vadd.s32 v2, v21;
	v21 =	vadd.s32 v21, v25;
	[tilespmem:v32+s11+$0x0] =	vst.idx.msk vm11, v11  }
0xa1: {  	s21 =	sadd.s32 $0x80, s21;
	v11 =	vmovc v24;
	vm6 =	vmand vm6, vm7;
	vm7 =	vlt.s32 v21, $0x100;
	v17 =	vadd.s32 v21, v17;
	[tilespmem:v22+s11+$0x0] =	vst.idx.msk vm8, v23  }
0xa2: {  	vm8 =	vge.f32 v12, v13  }
0xa3: {  	v22 =	vsel vm8, $0x10, v3  }
0xa4: {  	vm9 =	vge.f32 v11, v13;
	v13 =	vadd.s32 v15, v22  }
0xa5: {  	v14 =	vadd.s32 v17, v14;
	v62 =	vsel vm9, $0x10, v3;
	v20 =	vadd.s32 v13, v20  }
0xa6: {  	v14 =	vxor.u32 $0x80000000, v14;
	v22 =	vadd.s32 v20, v62  }
0xa7: {  	(xrf0) =	vmax.scan.msk.u32 $0xffff, v14;
	v14 =	vxor.u32 $0x80000000, v22  }
0xa8: {  	(xrf0) =	vmax.scan.msk.u32 $0xffff, v14  }
0xa9: {  	vm2 =	vmand vm5, vm2;
	vm12 =	vlt.s32 v15, $0x200;
	v14 =	vadd.s32 v2, v18  }
0xaa: {  	v16 =	vadd.s32 v2, v16;
	vm13 =	vlt.s32 v17, $0x100;
	vm5 =	vmand vm12, vm8  }
0xab: {  	vm0 =	vmand vm13, vm0;
	v15 =	vadd.s32 v2, v15  }
0xac: {  	vm3 =	vmand vm7, vm3;
	v17 =	vadd.s32 v2, v17;
	vm14 =	vlt.s32 v20, $0x200  }
0xad: {  	[tilespmem:v19+s11+$0x0] =	vst.idx.msk vm6, v10;
	vm15 =	vlt.s32 v13, $0x200;
	vm7 =	vmand vm14, vm9;
	v18 =	vadd.s32 v2, v21;
	v63, _, _ =	vpop (xrf0)  }
0xae: {  	vm1 =	vmand vm15, vm1;
	(v2sf) =	vpush v63, $0xF;
	[tilespmem:v14+s11+$0x0] =	vst.idx.msk vm4, v8;
	v8 =	vadd.s32 v2, v20;
	v10, _, _ =	vpop (xrf0)  }
0xaf: {  	[tilespmem:v16+s11+$0x0] =	vst.idx.msk vm2, v6;
	v6 =	vadd.s32 v2, v13;
	(v2sf) =	vpush v10, $0xF  }
0xb0: {  	[tilespmem:v15+s11+$0x0] =	vst.idx.msk vm5, v12  }
0xb1: {  	[tilespmem:v17+s11+$0x0] =	vst.idx.msk vm0, v5  }
0xb2: {  	[tilespmem:v18+s11+$0x0] =	vst.idx.msk vm3, v7  }
0xb3: {  	[tilespmem:v8+s11+$0x0] =	vst.idx.msk vm7, v11  }
0xb4: {  	[tilespmem:v6+s11+$0x0] =	vst.idx.msk vm1, v9  }
0xb5: {  	v6 =	vld [tilespmem:$0x18000]  }
0xb6: {  	v9 =	vld [tilespmem:$0x18010]  }
0xb7: {  	v10 =	vld [tilespmem:$0x18110]  }
0xb8: {  	v13 =	vld [tilespmem:$0x18030]  }
0xb9: {  	v8 =	vld [tilespmem:$0x18100]  }
0xba: {  	v11 =	vld [tilespmem:$0x18020]  }
0xbb: {  	v12 =	vld [tilespmem:$0x18120]  }
0xbc: {  	v18 =	vld [tilespmem:$0x18140];
	v5 =	vshra.s32 v6, $0x1F;
	v15 =	vshra.s32 v9, $0x1F  }
0xbd: {  	v16 =	vshra.s32 v10, $0x1F;
	v19 =	vshra.s32 v13, $0x1F;
	v7 =	vor.u32 $0x80000000, v5;
	s20 =	spop (v2sf)  }
0xbe: {  	v14 =	vld [tilespmem:$0x18130];
	v5 =	vimm.s32 $0x80000000;
	v15 =	vor.u32 $0x80000000, v15;
	v16 =	vor.u32 $0x80000000, v16;
	s21 =	spop (v2sf)  }
0xbf: {  	v17 =	vld [tilespmem:$0x18040];
	v19 =	vor.u32 $0x80000000, v19;
	v7 =	vxor.u32 v6, v7;
	v6 =	vshra.s32 v8, $0x1F;
	s20 =	sshra.s32 s20, $0x4;
	s21 =	sadd.s32 $0x7FFFFF00, s21  }
0xc0: {  	v9 =	vxor.u32 v9, v15;
	v10 =	vxor.u32 v10, v16;
	v15 =	vshra.s32 v11, $0x1F;
	s22 =	sxor.u32 $0xF8000000, s20;
	s20 =	sshra.s32 s21, $0x4  }
0xc1: {  	v16 =	vshra.s32 v12, $0x1F;
	v13 =	vxor.u32 v13, v19;
	v19 =	vshra.s32 v18, $0x1F;
	p0 =	sgt.s32 s22, s20  }
.Ltmp7:
0xc2: {  	v6 =	vor.u32 $0x80000000, v6;
	v15 =	vor.u32 $0x80000000, v15;
	v16 =	vor.u32 $0x80000000, v16;
	s20 =	smov.u32 @p0 s22;
	(pc) =	sbr.rel .LBB2_9-.Ltmp7, $4  }
0xc3: {  	v19 =	vor.u32 $0x80000000, v19;
	v8 =	vxor.u32 v8, v6;
	v11 =	vxor.u32 v11, v15;
	p0 =	sgt.s32 s20, $0x9;
	s21 =	smov.u32 s20  }
0xc4: {  	v12 =	vxor.u32 v12, v16;
	v15 =	vshra.s32 v14, $0x1F;
	v16 =	vshra.s32 v17, $0x1F;
	s21 =	simm.s32 @!p0 $0x9  }
0xc5: {  	v6 =	vimm.s32 $0x0;
	v15 =	vor.u32 $0x80000000, v15;
	v16 =	vor.u32 $0x80000000, v16;
	s21 =	smin.u32 s21, $0x10  }
0xc6: {  	v14 =	vxor.u32 v14, v15;
	v15 =	vxor.u32 v17, v16;
	v16 =	vxor.u32 v18, v19;
	s22 =	simm.s32 $0x0;
	p0 =	slt.s32 s20, $0x9;
	s21 =	sshll.u32 s21, $0x4  }
.LBB2_11:
0xc7: {  	_ = 	snop  }
.LBB2_18:
0xc8: {  	s24 =	sadd.s32 s25, s24;
	v21 =	vld [tilespmem:s23+$0x0]  }
0xc9: {  	v20 =	vor.u32 @p1 $0x80000000, v20;
	v25 =	vshra.s32 @p1 v23, $0x1F;
	v26 =	vld [tilespmem:s24+$0x0]  }
0xca: {  	v20 =	vxor.u32 @p1 v24, v20;
	v24 =	vor.u32 @p1 $0x80000000, v25  }
0xcb: {  	v23 =	vxor.u32 @p1 v23, v24;
	vm0 =	vge.u32 @p1 v20, v17  }
0xcc: {  	v19 =	vadd.s32 @p2 v19, v22;
	v20 =	vmpcnt.ones.xlane @p1 vm0;
	vm0 =	vge.u32 @p1 v23, v17  }
0xcd: {  	v19 =	vpsel p2, v19, v18;
	v22 =	vmpcnt.ones.xlane @p1 vm0;
	v61 =	vshra.s32 v21, $0x1F  }
0xce: {  	v19 =	vadd.s32 @p1 v19, v20;
	v20 =	vor.u32 $0x80000000, v61;
	v62 =	vshra.s32 v26, $0x1F  }
0xcf: {  	v19 =	vpsel p1, v19, v0;
	v20 =	vxor.u32 v21, v20;
	v63 =	vor.u32 $0x80000000, v62  }
0xd0: {  	v22 =	vpsel p1, v22, v0;
	v21 =	vxor.u32 v26, v63;
	vm14 =	vge.u32 v20, v17  }
0xd1: {  	v19 =	vadd.s32 @p1 v22, v19;
	v20 =	vmpcnt.ones.xlane vm14;
	vm15 =	vge.u32 v21, v17  }
0xd2: {  	v18 =	vpsel p1, v19, v18;
	v21 =	vmpcnt.ones.xlane vm15  }
0xd3: {  	v18 =	vadd.s32 v18, v20  }
0xd4: {  	v18 =	vadd.s32 v21, v18  }
.LBB2_19:
0xd5: {  	s22 =	sadd.s32 $0x1, s22  }
0xd6: {  	p1 =	sne.s32 s22, $0x20  }
.Ltmp8:
0xd7: {  	_ = 	snop;
	(pc) =	sbr.rel @!p1 .LBB2_20-.Ltmp8, $3  }
0xd8: {  	_ =	sdelay $0x1  }
0xd9: {  	vm0 =	vgt.s32 v18, $0x3F  }
0xda: {  	v5 =	vshrl.u32 v5, $0x1;
	v6 =	vsel vm0, v17, v6  }
.LBB2_9:
0xdb: {  	v17 =	vor.u32 v6, v5  }
0xdc: {  	vm0 =	vge.u32 v7, v17;
	vm1 =	vge.u32 v8, v17  }
0xdd: {  	vm14 =	vge.u32 v9, v17;
	v18 =	vmpcnt.ones.xlane vm0;
	v19 =	vmpcnt.ones.xlane vm1  }
0xde: {  	vm15 =	vge.u32 v10, v17;
	v20 =	vmpcnt.ones.xlane vm14  }
0xdf: {  	vm4 =	vge.u32 v11, v17;
	v18 =	vadd.s32 v18, v19;
	v19 =	vmpcnt.ones.xlane vm15  }
0xe0: {  	v21 =	vld [tilespmem:$0x18050];
	vm5 =	vge.u32 v12, v17;
	v18 =	vadd.s32 v20, v18;
	v20 =	vmpcnt.ones.xlane vm4  }
0xe1: {  	v22 =	vld [tilespmem:$0x18150];
	vm6 =	vge.u32 v13, v17;
	v18 =	vadd.s32 v19, v18;
	v19 =	vmpcnt.ones.xlane vm5  }
0xe2: {  	v25 =	vld [tilespmem:$0x18160];
	vm7 =	vge.u32 v14, v17;
	v18 =	vadd.s32 v20, v18;
	v20 =	vmpcnt.ones.xlane vm6  }
0xe3: {  	v55 =	vld [tilespmem:$0x18170];
	v18 =	vadd.s32 v19, v18;
	v19 =	vmpcnt.ones.xlane vm7  }
0xe4: {  	v18 =	vadd.s32 v20, v18  }
0xe5: {  	vm8 =	vge.u32 v15, v17;
	v20 =	vld [tilespmem:$0x18060];
	v18 =	vadd.s32 v19, v18;
	v19 =	vshra.s32 v21, $0x1F  }
0xe6: {  	vm9 =	vge.u32 v16, v17;
	v23 =	vmpcnt.ones.xlane vm8;
	v19 =	vor.u32 $0x80000000, v19  }
0xe7: {  	v53 =	vmpcnt.ones.xlane vm9;
	v24 =	vshra.s32 v22, $0x1F;
	v19 =	vxor.u32 v21, v19  }
0xe8: {  	v59 =	vshra.s32 v25, $0x1F;
	v62 =	vshra.s32 v55, $0x1F;
	vm10 =	vge.u32 v19, v17;
	v19 =	vld [tilespmem:$0x18070]  }
0xe9: {  	v52 =	vor.u32 $0x80000000, v24;
	v60 =	vor.u32 $0x80000000, v59;
	v18 =	vadd.s32 v23, v18  }
0xea: {  	v21 =	vxor.u32 v22, v52;
	v18 =	vadd.s32 v53, v18;
	v57 =	vshra.s32 v20, $0x1F  }
0xeb: {  	v22 =	vxor.u32 v25, v60;
	vm11 =	vge.u32 v21, v17;
	v58 =	vor.u32 $0x80000000, v57  }
0xec: {  	vm13 =	vge.u32 v22, v17;
	v54 =	vmpcnt.ones.xlane vm10;
	v20 =	vxor.u32 v20, v58  }
0xed: {  	v56 =	vmpcnt.ones.xlane vm11;
	vm12 =	vge.u32 v20, v17;
	v20 =	vshra.s32 v19, $0x1F  }
0xee: {  	v63 =	vmpcnt.ones.xlane vm13;
	v18 =	vadd.s32 v54, v18;
	v20 =	vor.u32 $0x80000000, v20  }
0xef: {  	v61 =	vmpcnt.ones.xlane vm12;
	v19 =	vxor.u32 v19, v20;
	v20 =	vor.u32 $0x80000000, v62  }
.Ltmp9:
0xf0: {  	v18 =	vadd.s32 v56, v18;
	v20 =	vxor.u32 v55, v20;
	vm14 =	vge.u32 v19, v17;
	(pc) =	sbr.rel @p0 .LBB2_19-.Ltmp9, $4  }
0xf1: {  	v18 =	vadd.s32 v61, v18;
	v19 =	vmpcnt.ones.xlane vm14;
	vm15 =	vge.u32 v20, v17  }
0xf2: {  	v18 =	vadd.s32 v63, v18;
	v20 =	vmpcnt.ones.xlane vm15  }
0xf3: {  	v18 =	vadd.s32 v19, v18  }
0xf4: {  	v18 =	vadd.s32 v20, v18  }
0xf5: {  	p3 =	sne.s32 s21, $0x90  }
.Ltmp10:
0xf6: {  	_ = 	snop;
	(pc) =	sbr.rel @!p3 .LBB2_11-.Ltmp10, $4  }
0xf7: {  	_ = 	snop  }
0xf8: {  	s25 =	simm.s32 $0x80  }
0xf9: {  	s24 =	simm.s32 $0x18100;
	s23 =	simm.s32 $0x18080;
	s26 =	simm.s32 $0x90  }
0xfa: {  	p1 =	por $0x0, $0x0;
	p2 =	por $0x0, $0x0;
	s25 =	sand.u32 $0x3FFFFF80, s25  }
0xfb: {  	v24 =	vld [tilespmem:s23+$0x0];
	p3 =	sne.s32 s21, $0xA0  }
.Ltmp11:
0xfc: {  	s31 =	sadd.s32 $0x18100, s25;
	(pc) =	sbr.rel @!p3 .LBB2_13-.Ltmp11, $3  }
0xfd: {  	v23 =	vld [tilespmem:s31+$0x0];
	_ =	sdelay $0x1  }
0xfe: {  	s28 =	simm.s32 $0xA0;
	s25 =	sand.u32 $0x3FFFFF80, s26  }
0xff: {  	s24 =	simm.s32 $0x18110;
	s23 =	simm.s32 $0x18090;
	p1 =	por $0x1, $0x1;
	v20 =	vshra.s32 v24, $0x1F  }
0x100: {  	_ = 	snop  }
0x101: {  	v21 =	vld [tilespmem:s23+$0x0];
	v19 =	vor.u32 $0x80000000, v20;
	p3 =	sne.s32 s21, $0xB0;
	v20 =	vshra.s32 v23, $0x1F  }
.Ltmp12:
0x102: {  	s31 =	sadd.s32 $0x18110, s25;
	v19 =	vxor.u32 v24, v19;
	v20 =	vor.u32 $0x80000000, v20;
	(pc) =	sbr.rel @!p3 .LBB2_15-.Ltmp12, $4  }
0x103: {  	vm0 =	vge.u32 v19, v17;
	v19 =	vxor.u32 v23, v20;
	v23 =	vld [tilespmem:s31+$0x0]  }
0x104: {  	v22 =	vmpcnt.ones.xlane vm0  }
0x105: {  	s26 =	simm.s32 $0xB0;
	s25 =	sand.u32 $0x3FFFFF80, s28;
	vm15 =	vge.u32 v19, v17  }
0x106: {  	s24 =	simm.s32 $0x18120;
	s23 =	simm.s32 $0x180A0;
	p2 =	por $0x1, $0x1;
	v19 =	vmpcnt.ones.xlane vm15;
	v20 =	vshra.s32 v21, $0x1F;
	v22 =	vadd.s32 v18, v22  }
.LBB2_16:
0x107: {  	s28 =	smov.u32 s26;
	s26 =	sadd.s32 $0x10, s26  }
0x108: {  	s25 =	sadd.s32 s25, s24;
	v24 =	vld [tilespmem:s23+$0x0];
	v20 =	vor.u32 $0x80000000, v20;
	v25 =	vshra.s32 v23, $0x1F;
	v22 =	vadd.s32 v19, v22;
	v19 =	vmovc v23;
	p3 =	sne.s32 s21, s26  }
.Ltmp13:
0x109: {  	v23 =	vld [tilespmem:s25+$0x0];
	v20 =	vxor.u32 v21, v20;
	v21 =	vor.u32 $0x80000000, v25;
	(pc) =	sbr.rel @p3 .LBB2_16-.Ltmp13, $4  }
0x10a: {  	v19 =	vxor.u32 v19, v21;
	vm0 =	vge.u32 v20, v17  }
0x10b: {  	v25 =	vmpcnt.ones.xlane vm0;
	vm0 =	vge.u32 v19, v17  }
0x10c: {  	v19 =	vmpcnt.ones.xlane vm0  }
0x10d: {  	s24 =	sadd.s32 $0x10, s24;
	s23 =	sadd.s32 $0x10, s23;
	s25 =	sand.u32 $0x3FFFFF80, s28;
	v20 =	vshra.s32 v24, $0x1F;
	v22 =	vadd.s32 v22, v25;
	v21 =	vmov v24  }
.Ltmp14:
0x10e: {  	(pc) =	sbr.rel .LBB2_18-.Ltmp14, $2  }
0x10f: {  	_ =	sdelay $0x2  }
0x110: {  	v24 =	vmov v21  }
.LBB2_13:
.Ltmp15:
0x111: {  	(pc) =	sbr.rel .LBB2_18-.Ltmp15, $2  }
0x112: {  	_ =	sdelay $0x2  }
0x113: {  	_ = 	snop  }
.LBB2_15:
.Ltmp16:
0x114: {  	(pc) =	sbr.rel .LBB2_18-.Ltmp16, $2  }
0x115: {  	_ =	sdelay $0x2  }
0x116: {  	v24 =	vmov v21  }
.LBB2_20:
0x117: {  	p0 =	slt.s32 s20, $0x11  }
.Ltmp17:
0x118: {  	_ = 	snop;
	(pc) =	sbr.rel @p0 .LBB2_24-.Ltmp17, $2  }
0x119: {  	_ =	sdelay $0x2  }
0x11a: {  	s20 =	simm.s32 $0x0;
	v5 =	vimm.s32 $0x0;
	v7 =	vimm.s32 $0x80000000  }
.LBB2_21:
0x11b: {  	v8 =	vmov s18;
	_ =	sdelay $0x3  }
0x11c: {  	s21 =	simm.s32 $0x0  }
0x11d: {  	v9 =	vld.idx.msk [tilespmem:v8+s21+$0x0 ss:$0x1], $0xffff;
	_ =	sdelay $0x4  }
0x11e: {  	v6 =	vshra.s32 v9, $0x1F  }
0x11f: {  	s22 =	simm.s32 $0x10;
	v10 =	vor.u32 $0x80000000, v6  }
0x120: {  	v9 =	vxor.u32 v9, v10;
	v10 =	vld.idx.msk [tilespmem:v8+s22+$0x0 ss:$0x1], $0xffff  }
0x121: {  	v6 =	vor.u32 v5, v7  }
0x122: {  	vm0 =	vge.u32 v9, v6  }
0x123: {  	s21 =	simm.s32 $0x80;
	v9 =	vimm.s32 $0x0;
	v11 =	vmpcnt.ones.xlane vm0  }
.LBB2_22:
0x124: {  	s22 =	sshra.s32 s21, $0x2;
	p0 =	sne.s32 s21, $0x1FFC0;
	s21 =	sadd.s32 $0x40, s21  }
.Ltmp18:
0x125: {  	v12 =	vshra.s32 v10, $0x1F;
	v9 =	vadd.s32 v9, v11;
	v11 =	vmov v10;
	v10 =	vld.idx.msk [tilespmem:v8+s22+$0x0 ss:$0x1], $0xffff;
	(pc) =	sbr.rel @p0 .LBB2_22-.Ltmp18, $4  }
0x126: {  	v12 =	vor.u32 $0x80000000, v12  }
0x127: {  	v11 =	vxor.u32 v11, v12  }
0x128: {  	vm0 =	vge.u32 v11, v6  }
0x129: {  	v11 =	vmpcnt.ones.xlane vm0  }
0x12a: {  	v8 =	vshra.s32 v10, $0x1F  }
0x12b: {  	v8 =	vor.u32 $0x80000000, v8  }
0x12c: {  	v8 =	vxor.u32 v10, v8  }
0x12d: {  	s20 =	sadd.s32 $0x1, s20;
	vm0 =	vge.u32 v8, v6  }
0x12e: {  	p0 =	sne.s32 s20, $0x20;
	v8 =	vmpcnt.ones.xlane vm0  }
.Ltmp19:
0x12f: {  	v9 =	vadd.s32 v9, v11;
	(pc) =	sbr.rel @p0 .LBB2_21-.Ltmp19, $4  }
0x130: {  	v8 =	vadd.s32 v9, v8  }
0x131: {  	vm15 =	vgt.s32 v8, $0x3F  }
0x132: {  	v5 =	vsel vm15, v6, v5  }
0x133: {  	v7 =	vshrl.u32 v7, $0x1;
	v6 =	vmov v5  }
.LBB2_24:
0x134: {  	v8 =	vld [tilespmem:s19+$0x30]  }
0x135: {  	v10 =	vld [tilespmem:s19+$0xFFFFFFD0]  }
0x136: {  	vm0 =	vgt.s32 v6, $0xFFFFFFFF;
	v12 =	vld [tilespmem:s19+$0xFFFFFFE0]  }
0x137: {  	v9 =	vld [tilespmem:s19+$0xFFFFFFF0];
	v5 =	vsel vm0, $0xFFFFFFFF, v0  }
0x138: {  	v7 =	vld [tilespmem:s19+$0x0];
	v5 =	vxor.u32 v6, v5  }
0x139: {  	v6 =	vld [tilespmem:s19+$0x10];
	vm0 =	vge.f32 v8, v5  }
0x13a: {  	s20 =	sshll.u32 s16, $0xF;
	vm1 =	vge.f32 v10, v5;
	v8 =	vld [tilespmem:s19+$0x20];
	v13 =	vsel vm0, $0x3F800000, v4  }
0x13b: {  	s22 =	simm.s32 $0x0;
	s23 =	sadd.s32 $0x80, s19;
	s21 =	sadd.s32 s5, s20;
	v10 =	vld [tilespmem:s19+$0xFFFFFFC0];
	v11 =	vsel vm1, $0x3F800000, v4;
	vm0 =	vge.f32 v12, v5;
	[tilespmem:s19+$0x30] =	vst v13  }
.LBB2_25:
0x13c: {  	v12 =	vld [tilespmem:s23+$0x30];
	s22 =	sadd.s32 $0x2, s22;
	[tilespmem:s19+$0xFFFFFFD0] =	vst v11;
	v11 =	vsel vm0, $0x3F800000, v4;
	vm0 =	vge.f32 v9, v5  }
0x13d: {  	v13 =	vld [tilespmem:s23+$0xFFFFFFD0];
	p0 =	slt.u32 s22, $0x1FE;
	[tilespmem:s19+$0xFFFFFFE0] =	vst v11;
	v9 =	vsel vm0, $0x3F800000, v4;
	vm0 =	vge.f32 v7, v5  }
0x13e: {  	v14 =	vld [tilespmem:s23+$0xFFFFFFE0];
	[tilespmem:s19+$0xFFFFFFF0] =	vst v9;
	v7 =	vsel vm0, $0x3F800000, v4;
	vm0 =	vge.f32 v6, v5  }
.Ltmp20:
0x13f: {  	v9 =	vld [tilespmem:s23+$0xFFFFFFF0];
	[tilespmem:s19+$0x0] =	vst v7;
	v6 =	vsel vm0, $0x3F800000, v4;
	vm0 =	vge.f32 v8, v5;
	(pc) =	sbr.rel @p0 .LBB2_25-.Ltmp20, $4  }
0x140: {  	v7 =	vld [tilespmem:s23+$0x0];
	vm1 =	vge.f32 v10, v5;
	[tilespmem:s19+$0x10] =	vst v6;
	v8 =	vsel vm0, $0x3F800000, v4  }
0x141: {  	v6 =	vld [tilespmem:s23+$0x10];
	vm0 =	vge.f32 v12, v5;
	v10 =	vsel vm1, $0x3F800000, v4;
	[tilespmem:s19+$0x20] =	vst v8  }
0x142: {  	vm1 =	vge.f32 v13, v5;
	v8 =	vld [tilespmem:s23+$0x20];
	v12 =	vsel vm0, $0x3F800000, v4;
	[tilespmem:s19+$0xFFFFFFC0] =	vst v10;
	s19 =	smov.u32 s23  }
0x143: {  	s23 =	sadd.s32 $0x80, s23;
	v10 =	vld [tilespmem:s19+$0xFFFFFFC0];
	v11 =	vsel vm1, $0x3F800000, v4;
	vm0 =	vge.f32 v14, v5;
	[tilespmem:s19+$0x30] =	vst v12  }
0x144: {  	[tilespmem:s19+$0xFFFFFFD0] =	vst v11;
	v63 =	vsel vm0, $0x3F800000, v4;
	vm12 =	vge.f32 v9, v5  }
0x145: {  	[tilespmem:s19+$0xFFFFFFE0] =	vst v63;
	v9 =	vsel vm12, $0x3F800000, v4;
	vm13 =	vge.f32 v7, v5  }
0x146: {  	p0 =	seq.s32 s16, $0x0;
	[tilespmem:s19+$0xFFFFFFF0] =	vst v9;
	v7 =	vsel vm13, $0x3F800000, v4;
	vm14 =	vge.f32 v6, v5  }
.Ltmp21:
0x147: {  	[tilespmem:s19+$0x0] =	vst v7;
	v6 =	vsel vm14, $0x3F800000, v4;
	vm15 =	vge.f32 v8, v5;
	(pc) =	sbr.rel @p0 .LBB2_29-.Ltmp21, $4  }
0x148: {  	vm1 =	vge.f32 v10, v5;
	[tilespmem:s19+$0x10] =	vst v6;
	v5 =	vsel vm15, $0x3F800000, v4  }
0x149: {  	s21 =	sshrl.u32 s21, $0x3;
	v6 =	vsel vm1, $0x3F800000, v4;
	[tilespmem:s19+$0x20] =	vst v5  }
0x14a: {  	s17 =	sadd.s32 $0x4, s17;
	s31 =	sadd.s32 s3, s21;
	[tilespmem:s19+$0xFFFFFFC0] =	vst v6  }
0x14b: {  	[hbm4b:s31+s4] =	stream.linear.scatter [tilespmem:s18], [sflag:s17], $0x8000, $0x38;
	[tilespmem:$0x18200] =	vst v63  }
0x14c: {  	p1 =	sne.s32 s16, $0x1  }
.Ltmp22:
0x14d: {  	_ = 	snop;
	(pc) =	sbr.rel @p1 .LBB2_30-.Ltmp22, $1  }
0x14e: {  	_ =	sdelay $0x3  }
.Ltmp23:
0x14f: {  	(pc) =	sbr.rel .LBB2_29-.Ltmp23, $4  }
0x150: {  	_ = 	snop  }
0x151: {  	_ =	swait.ge [sflag:s14], $0x8000  }
0x152: {  	[sflag:s14] =	ssyncset.done $0x0  }
0x153: {  	[sflag:s14] =	ssyncadd.s32 $0xFFFF8000  }
.LBB2_32:
0x154: {  	_ =	sfence.sel $0x180000  }
0x155: {  	[bflag:$0x0] =	sbarrier.arrive $0xFFFF  }
0x156: {  	p0 =	sne.s32 s1, $0x0;
	_ =	strace $0x90000047  }
0x157: {  	s0 =	sadd.s32 @!p0 $0x100000, s0;
	[bflag:$0x2] =	sbarrier.arrive $0xFFFF  }
0x158: {  	[sflag:s0] =	ssyncadd.tile.s32 @!p0 $0x1;
	_ =	shalt  }
.Lfunc_end2:
_tile_overlayer_lowered:
.L_overlay_start_2:
0x159: {  	(tag) =	ssettag $0x2  }
0x15a: {  	s0 =	rddreg [dreg:$0x0];
	s2 =	stileid.u32  }
0x15b: {  	s1 =	rddreg [dreg:$0x1];
	p0 =	sne.s32 s2, $0x0  }
0x15c: {  	s3 =	rddreg [dreg:$0x2];
	[bflag:$0x3] =	sbarrier.arrive $0xFFFF;
	s2 =	simm.s32 @!p0 $0x1C07  }
0x15d: {  	[timem:s3], [sflag:s2] =	dma.local @!p0 [hbm:s0], s1  }
0x15e: {  	s0 =	simm.s32 @!p0 $0x7  }
0x15f: {  	_ =	swait.ge @!p0 [sflag:s0], s1  }
0x160: {  	s1 =	ssub.s32 @!p0 $0x0, s1;
	[sflag:s0] =	ssyncset.done @!p0 $0x0  }
0x161: {  	[sflag:s0] =	ssyncadd.s32 @!p0 s1  }
0x162: {  	[bflag:$0x3] =	sbarrier.arrive $0xFFFF  }
0x163: {  	_ =	shalt  }

</sc_bundles>
